<compile_context>
chip_gen: v7x
topology: tpu7x:2x2x1
jax: 0.10.2.dev20260603
libtpu: 0.0.44.dev20260713+nightly
codegen_flags: <defaults>
</compile_context>

<pallas_src>
import functools

import jax
import jax.numpy as jnp
from jax import lax
from jax.experimental import pallas as pl
from jax.experimental.pallas import tpu as pltpu
from jax.experimental.pallas import tpu_sc as plsc

N = 10000
E = 320000
IN = 128
H = 256
OUT = 10

NC, NS = 2, 16
LANES = 128
NACC = 10240
RPT = NACC // NS
K1 = 80
K2 = 160
RBLK = 512

@functools.cache
def _mesh():
  return plsc.VectorSubcoreMesh(
      core_axis_name="c", subcore_axis_name="s", num_cores=NC,
      num_subcores=NS)



def _deg_body(didx_hbm, zero_hbm, ones_hbm, deg_hbm, didx_v, ones_v, acc, sem):
  c = lax.axis_index("c")
  s = lax.axis_index("s")
  del sem
  pltpu.sync_copy(zero_hbm.at[pl.ds(s * RPT, RPT)], acc.at[pl.ds(s * RPT, RPT)])
  pltpu.sync_copy(didx_hbm.at[c, s], didx_v)
  pltpu.sync_copy(ones_hbm, ones_v)
  plsc.subcore_barrier()

  def step(j, _):
    pltpu.sync_copy(ones_v, acc.at[didx_v.at[j]], add=True)
    return 0
  lax.fori_loop(0, K1, step, 0)
  plsc.subcore_barrier()
  pltpu.sync_copy(acc.at[pl.ds(s * RPT, RPT)],
                  deg_hbm.at[c, pl.ds(s * RPT, RPT)])


@functools.cache
def _deg_call():
  return pl.kernel(
      _deg_body,
      out_type=jax.ShapeDtypeStruct((NC, NACC, LANES), jnp.float32),
      mesh=_mesh(),
      scratch_types=[
          pltpu.VMEM((K1, LANES), jnp.int32),
          pltpu.VMEM((LANES, LANES), jnp.float32),
          pltpu.VMEM_SHARED((NACC, LANES), jnp.float32),
          pltpu.SemaphoreType.DMA,
      ],
  )


def _make_agg(K, G):
  def body(table_hbm, sidx_hbm, didx_hbm, out_hbm,
           sidx_v, didx_v, rows0_v, rows1_v, acc, sem0, sem1):
    c = lax.axis_index("c")
    s = lax.axis_index("s")
    pltpu.sync_copy(table_hbm.at[pl.ds(c * NACC + s * RPT, RPT)],
                    acc.at[pl.ds(s * RPT, RPT)])
    plsc.subcore_barrier()

    rows = (rows0_v, rows1_v)
    sems = (sem0, sem1)

    def group(g, _):
      pltpu.sync_copy(sidx_hbm.at[c, s, pl.ds(g * G, G)], sidx_v)
      pltpu.sync_copy(didx_hbm.at[c, s, pl.ds(g * G, G)], didx_v)
      for b in range(2):
        pltpu.async_copy(table_hbm.at[sidx_v.at[b]], rows[b], sems[b])

      def rnd(j, _):
        for b in range(2):
          ch = j * 2 + b
          pltpu.make_async_copy(table_hbm.at[sidx_v.at[0]], rows[b],
                                sems[b]).wait()
          pltpu.sync_copy(rows[b], acc.at[didx_v.at[ch]], add=True)

          @pl.when(ch + 2 < G)
          def _():
            pltpu.async_copy(table_hbm.at[sidx_v.at[ch + 2]], rows[b],
                             sems[b])
        return 0
      lax.fori_loop(0, G // 2, rnd, 0)
      return 0
    lax.fori_loop(0, K // G, group, 0)
    plsc.subcore_barrier()
    pltpu.sync_copy(acc.at[pl.ds(s * RPT, RPT)],
                    out_hbm.at[c, pl.ds(s * RPT, RPT)])

  return pl.kernel(
      body,
      out_type=jax.ShapeDtypeStruct((NC, NACC, IN), jnp.float32),
      mesh=_mesh(),
      scratch_types=[
          pltpu.VMEM((G, LANES), jnp.int32),
          pltpu.VMEM((G, LANES), jnp.int32),
          pltpu.VMEM((LANES, IN), jnp.float32),
          pltpu.VMEM((LANES, IN), jnp.float32),
          pltpu.VMEM_SHARED((NACC, IN), jnp.float32),
          pltpu.SemaphoreType.DMA,
          pltpu.SemaphoreType.DMA,
      ],
  )


_make_agg = functools.cache(_make_agg)



def _dinv_block(degp):
  d = degp[0, :, 0:1] + degp[1, :, 0:1] + 1.0
  return lax.rsqrt(d)


def _prep_body(degp_ref, x_ref, out_ref):
  dinv = _dinv_block(degp_ref[...])
  out_ref[0] = x_ref[...] * dinv
  out_ref[1] = jnp.zeros_like(x_ref[...])


_prep_call = pl.pallas_call(
    _prep_body,
    grid=(NACC // RBLK,),
    in_specs=[
        pl.BlockSpec((NC, RBLK, LANES), lambda i: (0, i, 0)),
        pl.BlockSpec((RBLK, IN), lambda i: (i, 0)),
    ],
    out_specs=pl.BlockSpec((NC, RBLK, IN), lambda i: (0, i, 0)),
    out_shape=jax.ShapeDtypeStruct((NC, NACC, IN), jnp.float32),
)


def _layer_body(mode, last, p_ref, degp_ref, w_ref, b_ref, out_ref):
  dinv = _dinv_block(degp_ref[...])
  if mode == "sum":
    m = (p_ref[0] + p_ref[1]) * dinv
  else:
    m = jnp.concatenate([p_ref[0], p_ref[1]], axis=1) * dinv
  h = jnp.maximum(
      jnp.dot(m, w_ref[...], preferred_element_type=jnp.float32) + b_ref[...],
      0.0)
  if last:
    out_ref[...] = h
  else:
    th = h * dinv
    out_ref[0] = th[:, :IN]
    out_ref[1] = th[:, IN:]


def _make_layer(mode, last, fin):
  out_spec = (pl.BlockSpec((RBLK, H), lambda i: (i, 0)) if last
              else pl.BlockSpec((NC, RBLK, IN), lambda i: (0, i, 0)))
  out_shape = (jax.ShapeDtypeStruct((NACC, H), jnp.float32) if last
               else jax.ShapeDtypeStruct((NC, NACC, IN), jnp.float32))
  return pl.pallas_call(
      functools.partial(_layer_body, mode, last),
      grid=(NACC // RBLK,),
      in_specs=[
          pl.BlockSpec((NC, RBLK, IN), lambda i: (0, i, 0)),
          pl.BlockSpec((NC, RBLK, LANES), lambda i: (0, i, 0)),
          pl.BlockSpec((fin, H), lambda i: (0, 0)),
          pl.BlockSpec((1, H), lambda i: (0, 0)),
      ],
      out_specs=out_spec,
      out_shape=out_shape,
  )


_layer1 = _make_layer("sum", False, IN)
_layer2 = _make_layer("cat", False, H)


def _l3head_body(p_ref, degp_ref, w_ref, b_ref, wm1_ref, bm1_ref,
                 wm2_ref, bm2_ref, out_ref, acc_ref):
  i = pl.program_id(0)

  @pl.when(i == 0)
  def _():
    acc_ref[...] = jnp.zeros_like(acc_ref)

  dinv = _dinv_block(degp_ref[...])
  m = jnp.concatenate([p_ref[0], p_ref[1]], axis=1) * dinv
  h = jnp.maximum(
      jnp.dot(m, w_ref[...], preferred_element_type=jnp.float32) + b_ref[...],
      0.0)
  rows = i * RBLK + lax.broadcasted_iota(jnp.int32, (RBLK, 1), 0)
  hm = jnp.where(rows < N, h, 0.0)
  acc_ref[...] += hm.reshape(RBLK // 8, 8, H).sum(axis=0)

  @pl.when(i == pl.num_programs(0) - 1)
  def _():
    g = acc_ref[...].sum(axis=0, keepdims=True) * (1.0 / N)
    z = jnp.maximum(
        jnp.dot(g, wm1_ref[...], preferred_element_type=jnp.float32)
        + bm1_ref[...], 0.0)
    out_ref[...] = (
        jnp.dot(z, wm2_ref[...], preferred_element_type=jnp.float32)
        + bm2_ref[...])


_l3head_call = pl.pallas_call(
    _l3head_body,
    grid=(NACC // RBLK,),
    in_specs=[
        pl.BlockSpec((NC, RBLK, IN), lambda i: (0, i, 0)),
        pl.BlockSpec((NC, RBLK, LANES), lambda i: (0, i, 0)),
        pl.BlockSpec((H, H), lambda i: (0, 0)),
        pl.BlockSpec((1, H), lambda i: (0, 0)),
        pl.BlockSpec((H, H), lambda i: (0, 0)),
        pl.BlockSpec((1, H), lambda i: (0, 0)),
        pl.BlockSpec((H, OUT), lambda i: (0, 0)),
        pl.BlockSpec((1, OUT), lambda i: (0, 0)),
    ],
    out_specs=pl.BlockSpec((1, OUT), lambda i: (0, 0)),
    out_shape=jax.ShapeDtypeStruct((1, OUT), jnp.float32),
    scratch_shapes=[pltpu.VMEM((8, H), jnp.float32)],
)



def kernel(x, edge_index, W1, b1, W2, b2, W3, b3, Wm1, bm1, Wm2, bm2):
  src = edge_index[0]
  dst = edge_index[1]

  x_pad = jnp.zeros((NACC, IN), jnp.float32).at[:N].set(x)

  ec = E // 2
  per1 = NS * K1 * LANES
  pad1 = jnp.full((NC, per1 - ec), N, jnp.int32)
  src1 = jnp.concatenate([src.reshape(NC, ec), pad1], axis=1)
  src1 = src1.reshape(NC, NS, K1, LANES)
  dst1 = jnp.concatenate([dst.reshape(NC, ec), pad1], axis=1)
  dst1 = dst1.reshape(NC, NS, K1, LANES)

  per2 = NS * K2 * LANES
  pad2 = jnp.full((per2 - E,), N, jnp.int32)
  srcp = jnp.concatenate([src, pad2]).reshape(NS, K2, LANES)
  dstp = jnp.concatenate([dst, pad2]).reshape(NS, K2, LANES)
  sidx2 = jnp.stack([srcp, srcp + NACC])
  didx2 = jnp.stack([dstp, dstp])

  agg_es = _make_agg(K1, 40)
  agg_fs = _make_agg(K2, 40)

  zerosw = jnp.zeros((NACC, LANES), jnp.float32)
  onesw = jnp.ones((LANES, LANES), jnp.float32)
  degp = _deg_call()(dst1, zerosw, onesw)

  t0pair = _prep_call(degp, x_pad)
  p1 = agg_es(t0pair.reshape(NC * NACC, IN), src1, dst1)
  t1pair = _layer1(p1, degp, W1, b1.reshape(1, H))
  p2 = agg_fs(t1pair.reshape(NC * NACC, IN), sidx2, didx2)
  t2pair = _layer2(p2, degp, W2, b2.reshape(1, H))
  p3 = agg_fs(t2pair.reshape(NC * NACC, IN), sidx2, didx2)
  out = _l3head_call(p3, degp, W3, b3.reshape(1, H), Wm1,
                     bm1.reshape(1, H), Wm2, bm2.reshape(1, OUT))
  return out[0]

# --- scband reference (transcript-rebuilt; emitter-appended) ---
"""Pipeline reference for scband-graph-classification-15264313770368 (READ-ONLY COPY).

The authoritative reference and input builder live on the scoring server;
editing this copy changes nothing except your own understanding.
"""

import jax, jax.numpy as jnp
import numpy as np

N = 10000
E = 320000
IN = 128
H = 256
OUT = 10


def setup_inputs(seed: int = 0) -> dict:
    key = jax.random.key(seed)
    ks = jax.random.split(key, 12)
    x = jax.random.normal(ks[0], (N, IN), jnp.float32)
    edge_index = jax.random.randint(ks[1], (2, E), 0, N, dtype=jnp.int32)
    W1 = jax.random.normal(ks[2], (IN, H), jnp.float32) * (1.0 / np.sqrt(IN))
    b1 = jnp.zeros((H,), jnp.float32)
    W2 = jax.random.normal(ks[3], (H, H), jnp.float32) * (1.0 / np.sqrt(H))
    b2 = jnp.zeros((H,), jnp.float32)
    W3 = jax.random.normal(ks[4], (H, H), jnp.float32) * (1.0 / np.sqrt(H))
    b3 = jnp.zeros((H,), jnp.float32)
    Wm1 = jax.random.normal(ks[5], (H, H), jnp.float32) * (1.0 / np.sqrt(H))
    bm1 = jnp.zeros((H,), jnp.float32)
    Wm2 = jax.random.normal(ks[6], (H, OUT), jnp.float32) * (1.0 / np.sqrt(H))
    bm2 = jnp.zeros((OUT,), jnp.float32)
    return {"x": x, "edge_index": edge_index, "W1": W1, "b1": b1, "W2": W2, "b2": b2, "W3": W3, "b3": b3, "Wm1": Wm1, "bm1": bm1, "Wm2": Wm2, "bm2": bm2}


def reference(x, edge_index, W1, b1, W2, b2, W3, b3, Wm1, bm1, Wm2, bm2):
    src = edge_index[0]
    dst = edge_index[1]
    loop = jnp.arange(N, dtype=edge_index.dtype)
    src2 = jnp.concatenate([src, loop])
    dst2 = jnp.concatenate([dst, loop])
    # symmetric GCN normalization with self-loops
    deg = jnp.zeros((N,), x.dtype).at[dst2].add(1.0)
    dinv = 1.0 / jnp.sqrt(jnp.maximum(deg, 1.0))
    norm = dinv[src2] * dinv[dst2]

    def gcn_conv(h, W, b):
        hw = h @ W
        msg = hw[src2] * norm[:, None]
        agg = jnp.zeros_like(hw).at[dst2].add(msg)
        return agg + b

    h = jax.nn.relu(gcn_conv(x, W1, b1))
    h = jax.nn.relu(gcn_conv(h, W2, b2))
    h = jax.nn.relu(gcn_conv(h, W3, b3))
    # global mean pool over nodes (graph-level readout)
    g = jnp.mean(h, axis=0)
    out = jax.nn.relu(g @ Wm1 + bm1) @ Wm2 + bm2
    return out

if __name__ == "__main__":
    import jax
    _d = setup_inputs()
    print(jax.jit(kernel)(*tuple(_d.values())))

</pallas_src>

<mosaic_0001>
#map = affine_map<(d0, d1) -> (0, 0)>
#map1 = affine_map<(d0, d1) -> (0, 0, 0, 0)>
#map2 = affine_map<(d0, d1) -> (0, 0, 0)>
module attributes {stable_mosaic.version = 14 : i64} {
  func.func @body(%arg0: i32, %arg1: i32, %arg2: memref<20480x128xf32, #tpu.memory_space<hbm>>, %arg3: memref<2x16x80x128xi32, #tpu.memory_space<hbm>>, %arg4: memref<2x16x80x128xi32, #tpu.memory_space<hbm>>, %arg5: memref<2x10240x128xf32, #tpu.memory_space<hbm>>, %arg6: memref<40x128xi32, #tpu.memory_space<vmem>>, %arg7: memref<40x128xi32, #tpu.memory_space<vmem>>, %arg8: memref<128x128xf32, #tpu.memory_space<vmem>>, %arg9: memref<128x128xf32, #tpu.memory_space<vmem>>, %arg10: memref<10240x128xf32, #tpu.memory_space<vmem_shared>>, %arg11: memref<!tpu.dma_semaphore, #tpu.memory_space<semaphore_mem>>, %arg12: memref<!tpu.dma_semaphore, #tpu.memory_space<semaphore_mem>>) attributes {dimension_semantics = [#tpu.dimension_semantics<core_parallel>, #tpu.dimension_semantics<subcore_parallel>], iteration_bounds = array<i64: 2, 16>, scalar_prefetch = 0 : i64, scratch_operands = 7 : i64, tpu.core_type = #tpu.core_type<sc_vector_subcore>, window_params = [{transform_indices = #map}, {transform_indices = #map1}, {transform_indices = #map1}, {transform_indices = #map2}]} {
    %mul3A = arith.constant 10240 : i32
    %mul3A_0 = arith.muli %arg0, %mul3A : i32
    %mul3A_1 = arith.constant 640 : i32
    %mul3A_2 = arith.muli %arg1, %mul3A_1 : i32
    %add3A = arith.addi %mul3A_0, %mul3A_2 : i32
    %mul3A_3 = arith.constant 640 : i32
    %mul3A_4 = arith.muli %arg1, %mul3A_3 : i32
    "tpu.region"() ({
      %run_scoped3A = tpu.sem_alloc : memref<!tpu.dma_semaphore, #tpu.memory_space<semaphore_mem>>
      %dma_start3A = arith.constant 0 : i32
      %dma_start3A_16 = tpu.memref_slice %arg10[%mul3A_4, %dma_start3A] : memref<10240x128xf32, #tpu.memory_space<vmem_shared>> -> memref<640x128xf32, #tpu.memory_space<vmem_shared>>
      %dma_start3A_17 = arith.constant 0 : i32
      %dma_start3A_18 = tpu.memref_slice %arg2[%add3A, %dma_start3A_17] : memref<20480x128xf32, #tpu.memory_space<hbm>> -> memref<640x128xf32, #tpu.memory_space<hbm>>
      tpu.enqueue_dma source(%dma_start3A_18 : memref<640x128xf32, #tpu.memory_space<hbm>>) target(%dma_start3A_16 : memref<640x128xf32, #tpu.memory_space<vmem_shared>>) target_semaphore(%run_scoped3A : memref<!tpu.dma_semaphore, #tpu.memory_space<semaphore_mem>>)
      %dma_wait3A = arith.constant 0 : i32
      %dma_wait3A_19 = tpu.memref_slice %arg10[%mul3A_4, %dma_wait3A] : memref<10240x128xf32, #tpu.memory_space<vmem_shared>> -> memref<640x128xf32, #tpu.memory_space<vmem_shared>>
      %dma_wait3A_20 = arith.constant 0 : i32
      %dma_wait3A_21 = tpu.memref_slice %arg2[%add3A, %dma_wait3A_20] : memref<20480x128xf32, #tpu.memory_space<hbm>> -> memref<640x128xf32, #tpu.memory_space<hbm>>
      tpu.wait_dma2 semaphore(%run_scoped3A : memref<!tpu.dma_semaphore, #tpu.memory_space<semaphore_mem>>) src(%dma_wait3A_21 : memref<640x128xf32, #tpu.memory_space<hbm>>) dst(%dma_wait3A_19 : memref<640x128xf32, #tpu.memory_space<vmem_shared>>)
      tpu.yield
    }) : () -> ()
    %barrier3A = arith.constant 0 : index
    tpu.barrier barrier_id(%barrier3A)
    %scan3A = arith.constant 0 : i32
    %scan3A_5 = arith.constant 0 : i32
    %scan3A_6 = arith.constant 2 : i32
    %scan3A_7 = arith.addi %scan3A_5, %scan3A_6 : i32
    %scan3A_8 = arith.constant 1 : i32
    %scan3A_9 = scf.for %scan3A_16 = %scan3A_5 to %scan3A_7 step %scan3A_8 iter_args(%scan3A_17 = %scan3A) -> (i32)  : i32 {
      %mul3A_18 = arith.constant 40 : i32
      %mul3A_19 = arith.muli %scan3A_16, %mul3A_18 : i32
      "tpu.region"() ({
        %run_scoped3A = tpu.sem_alloc : memref<!tpu.dma_semaphore, #tpu.memory_space<semaphore_mem>>
        %dma_start3A_43 = arith.constant 0 : i32
        %dma_start3A_44 = tpu.memref_slice %arg3[%arg0, %arg1, %mul3A_19, %dma_start3A_43] : memref<2x16x80x128xi32, #tpu.memory_space<hbm>> -> memref<1x1x40x128xi32, #tpu.memory_space<hbm>>
        %dma_start3A_45 = tpu.memref_squeeze %dma_start3A_44 : memref<1x1x40x128xi32, #tpu.memory_space<hbm>> -> memref<40x128xi32, #tpu.memory_space<hbm>>
        %dma_start3A_46 = arith.constant 0 : i32
        %dma_start3A_47 = tpu.memref_slice %arg3[%arg0, %arg1, %mul3A_19, %dma_start3A_46] : memref<2x16x80x128xi32, #tpu.memory_space<hbm>> -> memref<1x1x40x128xi32, #tpu.memory_space<hbm>>
        %dma_start3A_48 = tpu.memref_squeeze %dma_start3A_47 : memref<1x1x40x128xi32, #tpu.memory_space<hbm>> -> memref<40x128xi32, #tpu.memory_space<hbm>>
        tpu.enqueue_dma source(%dma_start3A_48 : memref<40x128xi32, #tpu.memory_space<hbm>>) target(%arg6 : memref<40x128xi32, #tpu.memory_space<vmem>>) target_semaphore(%run_scoped3A : memref<!tpu.dma_semaphore, #tpu.memory_space<semaphore_mem>>)
        %dma_wait3A = arith.constant 0 : i32
        %dma_wait3A_49 = tpu.memref_slice %arg3[%arg0, %arg1, %mul3A_19, %dma_wait3A] : memref<2x16x80x128xi32, #tpu.memory_space<hbm>> -> memref<1x1x40x128xi32, #tpu.memory_space<hbm>>
        %dma_wait3A_50 = tpu.memref_squeeze %dma_wait3A_49 : memref<1x1x40x128xi32, #tpu.memory_space<hbm>> -> memref<40x128xi32, #tpu.memory_space<hbm>>
        %dma_wait3A_51 = arith.constant 0 : i32
        %dma_wait3A_52 = tpu.memref_slice %arg3[%arg0, %arg1, %mul3A_19, %dma_wait3A_51] : memref<2x16x80x128xi32, #tpu.memory_space<hbm>> -> memref<1x1x40x128xi32, #tpu.memory_space<hbm>>
        %dma_wait3A_53 = tpu.memref_squeeze %dma_wait3A_52 : memref<1x1x40x128xi32, #tpu.memory_space<hbm>> -> memref<40x128xi32, #tpu.memory_space<hbm>>
        tpu.wait_dma2 semaphore(%run_scoped3A : memref<!tpu.dma_semaphore, #tpu.memory_space<semaphore_mem>>) src(%dma_wait3A_53 : memref<40x128xi32, #tpu.memory_space<hbm>>) dst(%arg6 : memref<40x128xi32, #tpu.memory_space<vmem>>)
        tpu.yield
      }) : () -> ()
      %mul3A_20 = arith.constant 40 : i32
      %mul3A_21 = arith.muli %scan3A_16, %mul3A_20 : i32
      "tpu.region"() ({
        %run_scoped3A = tpu.sem_alloc : memref<!tpu.dma_semaphore, #tpu.memory_space<semaphore_mem>>
        %dma_start3A_43 = arith.constant 0 : i32
        %dma_start3A_44 = tpu.memref_slice %arg4[%arg0, %arg1, %mul3A_21, %dma_start3A_43] : memref<2x16x80x128xi32, #tpu.memory_space<hbm>> -> memref<1x1x40x128xi32, #tpu.memory_space<hbm>>
        %dma_start3A_45 = tpu.memref_squeeze %dma_start3A_44 : memref<1x1x40x128xi32, #tpu.memory_space<hbm>> -> memref<40x128xi32, #tpu.memory_space<hbm>>
        %dma_start3A_46 = arith.constant 0 : i32
        %dma_start3A_47 = tpu.memref_slice %arg4[%arg0, %arg1, %mul3A_21, %dma_start3A_46] : memref<2x16x80x128xi32, #tpu.memory_space<hbm>> -> memref<1x1x40x128xi32, #tpu.memory_space<hbm>>
        %dma_start3A_48 = tpu.memref_squeeze %dma_start3A_47 : memref<1x1x40x128xi32, #tpu.memory_space<hbm>> -> memref<40x128xi32, #tpu.memory_space<hbm>>
        tpu.enqueue_dma source(%dma_start3A_48 : memref<40x128xi32, #tpu.memory_space<hbm>>) target(%arg7 : memref<40x128xi32, #tpu.memory_space<vmem>>) target_semaphore(%run_scoped3A : memref<!tpu.dma_semaphore, #tpu.memory_space<semaphore_mem>>)
        %dma_wait3A = arith.constant 0 : i32
        %dma_wait3A_49 = tpu.memref_slice %arg4[%arg0, %arg1, %mul3A_21, %dma_wait3A] : memref<2x16x80x128xi32, #tpu.memory_space<hbm>> -> memref<1x1x40x128xi32, #tpu.memory_space<hbm>>
        %dma_wait3A_50 = tpu.memref_squeeze %dma_wait3A_49 : memref<1x1x40x128xi32, #tpu.memory_space<hbm>> -> memref<40x128xi32, #tpu.memory_space<hbm>>
        %dma_wait3A_51 = arith.constant 0 : i32
        %dma_wait3A_52 = tpu.memref_slice %arg4[%arg0, %arg1, %mul3A_21, %dma_wait3A_51] : memref<2x16x80x128xi32, #tpu.memory_space<hbm>> -> memref<1x1x40x128xi32, #tpu.memory_space<hbm>>
        %dma_wait3A_53 = tpu.memref_squeeze %dma_wait3A_52 : memref<1x1x40x128xi32, #tpu.memory_space<hbm>> -> memref<40x128xi32, #tpu.memory_space<hbm>>
        tpu.wait_dma2 semaphore(%run_scoped3A : memref<!tpu.dma_semaphore, #tpu.memory_space<semaphore_mem>>) src(%dma_wait3A_53 : memref<40x128xi32, #tpu.memory_space<hbm>>) dst(%arg7 : memref<40x128xi32, #tpu.memory_space<vmem>>)
        tpu.yield
      }) : () -> ()
      %dma_start3A = arith.constant 0 : i32
      %dma_start3A_22 = arith.constant 0 : i32
      %dma_start3A_23 = tpu.memref_slice %arg6[%dma_start3A, %dma_start3A_22] : memref<40x128xi32, #tpu.memory_space<vmem>> -> memref<1x128xi32, #tpu.memory_space<vmem>>
      %dma_start3A_24 = tpu.memref_squeeze %dma_start3A_23 : memref<1x128xi32, #tpu.memory_space<vmem>> -> memref<128xi32, #tpu.memory_space<vmem>>
      %dma_start3A_25 = arith.constant 0 : i32
      %dma_start3A_26 = arith.constant 0 : i32
      %dma_start3A_27 = tpu.memref_slice %arg2[%dma_start3A_25, %dma_start3A_26] : memref<20480x128xf32, #tpu.memory_space<hbm>> -> memref<20480x128xf32, #tpu.memory_space<hbm>>
      tpu.enqueue_indirect_dma source(%dma_start3A_27 : memref<20480x128xf32, #tpu.memory_space<hbm>>) target(%arg8 : memref<128x128xf32, #tpu.memory_space<vmem>>) offsets(%dma_start3A_24 : memref<128xi32, #tpu.memory_space<vmem>>) semaphore(%arg11 : memref<!tpu.dma_semaphore, #tpu.memory_space<semaphore_mem>>)
      %dma_start3A_28 = arith.constant 1 : i32
      %dma_start3A_29 = arith.constant 0 : i32
      %dma_start3A_30 = tpu.memref_slice %arg6[%dma_start3A_28, %dma_start3A_29] : memref<40x128xi32, #tpu.memory_space<vmem>> -> memref<1x128xi32, #tpu.memory_space<vmem>>
      %dma_start3A_31 = tpu.memref_squeeze %dma_start3A_30 : memref<1x128xi32, #tpu.memory_space<vmem>> -> memref<128xi32, #tpu.memory_space<vmem>>
      %dma_start3A_32 = arith.constant 0 : i32
      %dma_start3A_33 = arith.constant 0 : i32
      %dma_start3A_34 = tpu.memref_slice %arg2[%dma_start3A_32, %dma_start3A_33] : memref<20480x128xf32, #tpu.memory_space<hbm>> -> memref<20480x128xf32, #tpu.memory_space<hbm>>
      tpu.enqueue_indirect_dma source(%dma_start3A_34 : memref<20480x128xf32, #tpu.memory_space<hbm>>) target(%arg9 : memref<128x128xf32, #tpu.memory_space<vmem>>) offsets(%dma_start3A_31 : memref<128xi32, #tpu.memory_space<vmem>>) semaphore(%arg12 : memref<!tpu.dma_semaphore, #tpu.memory_space<semaphore_mem>>)
      %scan3A_35 = arith.constant 0 : i32
      %scan3A_36 = arith.constant 0 : i32
      %scan3A_37 = arith.constant 20 : i32
      %scan3A_38 = arith.addi %scan3A_36, %scan3A_37 : i32
      %scan3A_39 = arith.constant 1 : i32
      %scan3A_40 = scf.for %scan3A_43 = %scan3A_36 to %scan3A_38 step %scan3A_39 iter_args(%scan3A_44 = %scan3A_35) -> (i32)  : i32 {
        %mul3A_45 = arith.constant 2 : i32
        %mul3A_46 = arith.muli %scan3A_43, %mul3A_45 : i32
        %add3A_47 = arith.constant 0 : i32
        %add3A_48 = arith.addi %mul3A_46, %add3A_47 : i32
        %dma_wait3A = arith.constant 0 : i32
        %dma_wait3A_49 = arith.constant 0 : i32
        %dma_wait3A_50 = tpu.memref_slice %arg6[%dma_wait3A, %dma_wait3A_49] : memref<40x128xi32, #tpu.memory_space<vmem>> -> memref<1x128xi32, #tpu.memory_space<vmem>>
        %dma_wait3A_51 = tpu.memref_squeeze %dma_wait3A_50 : memref<1x128xi32, #tpu.memory_space<vmem>> -> memref<128xi32, #tpu.memory_space<vmem>>
        %dma_wait3A_52 = arith.constant 0 : i32
        %dma_wait3A_53 = arith.constant 0 : i32
        %dma_wait3A_54 = tpu.memref_slice %arg2[%dma_wait3A_52, %dma_wait3A_53] : memref<20480x128xf32, #tpu.memory_space<hbm>> -> memref<20480x128xf32, #tpu.memory_space<hbm>>
        tpu.wait_indirect_dma semaphore(%arg11 : memref<!tpu.dma_semaphore, #tpu.memory_space<semaphore_mem>>) src(%dma_wait3A_54 : memref<20480x128xf32, #tpu.memory_space<hbm>>) dst(%arg8 : memref<128x128xf32, #tpu.memory_space<vmem>>)
        "tpu.region"() ({
          %run_scoped3A = tpu.sem_alloc : memref<!tpu.dma_semaphore, #tpu.memory_space<semaphore_mem>>
          %dma_start3A_78 = arith.constant 0 : i32
          %dma_start3A_79 = tpu.memref_slice %arg7[%add3A_48, %dma_start3A_78] : memref<40x128xi32, #tpu.memory_space<vmem>> -> memref<1x128xi32, #tpu.memory_space<vmem>>
          %dma_start3A_80 = tpu.memref_squeeze %dma_start3A_79 : memref<1x128xi32, #tpu.memory_space<vmem>> -> memref<128xi32, #tpu.memory_space<vmem>>
          %dma_start3A_81 = arith.constant 0 : i32
          %dma_start3A_82 = arith.constant 0 : i32
          %dma_start3A_83 = tpu.memref_slice %arg10[%dma_start3A_81, %dma_start3A_82] : memref<10240x128xf32, #tpu.memory_space<vmem_shared>> -> memref<10240x128xf32, #tpu.memory_space<vmem_shared>>
          tpu.enqueue_indirect_dma source(%arg8 : memref<128x128xf32, #tpu.memory_space<vmem>>) target(%dma_start3A_83 : memref<10240x128xf32, #tpu.memory_space<vmem_shared>>) offsets(%dma_start3A_80 : memref<128xi32, #tpu.memory_space<vmem>>) semaphore(%run_scoped3A : memref<!tpu.dma_semaphore, #tpu.memory_space<semaphore_mem>>) {add = true}
          %dma_wait3A_84 = arith.constant 0 : i32
          %dma_wait3A_85 = tpu.memref_slice %arg7[%add3A_48, %dma_wait3A_84] : memref<40x128xi32, #tpu.memory_space<vmem>> -> memref<1x128xi32, #tpu.memory_space<vmem>>
          %dma_wait3A_86 = tpu.memref_squeeze %dma_wait3A_85 : memref<1x128xi32, #tpu.memory_space<vmem>> -> memref<128xi32, #tpu.memory_space<vmem>>
          %dma_wait3A_87 = arith.constant 0 : i32
          %dma_wait3A_88 = arith.constant 0 : i32
          %dma_wait3A_89 = tpu.memref_slice %arg10[%dma_wait3A_87, %dma_wait3A_88] : memref<10240x128xf32, #tpu.memory_space<vmem_shared>> -> memref<10240x128xf32, #tpu.memory_space<vmem_shared>>
          tpu.wait_indirect_dma semaphore(%run_scoped3A : memref<!tpu.dma_semaphore, #tpu.memory_space<semaphore_mem>>) src(%arg8 : memref<128x128xf32, #tpu.memory_space<vmem>>) dst(%dma_wait3A_89 : memref<10240x128xf32, #tpu.memory_space<vmem_shared>>)
          tpu.yield
        }) : () -> ()
        %add3A_55 = arith.constant 2 : i32
        %add3A_56 = arith.addi %add3A_48, %add3A_55 : i32
        %lt3A = arith.constant 40 : i32
        %lt3A_57 = arith.cmpi slt, %add3A_56, %lt3A : i32
        %convert_element_type3A = arith.extui %lt3A_57 : i1 to i32
        %cond3A = arith.constant 0 : i32
        %cond3A_58 = arith.cmpi ne, %convert_element_type3A, %cond3A : i32
        scf.if %cond3A_58 {
          %add3A_78 = arith.constant 2 : i32
          %add3A_79 = arith.addi %add3A_48, %add3A_78 : i32
          %dma_start3A_80 = arith.constant 0 : i32
          %dma_start3A_81 = tpu.memref_slice %arg6[%add3A_79, %dma_start3A_80] : memref<40x128xi32, #tpu.memory_space<vmem>> -> memref<1x128xi32, #tpu.memory_space<vmem>>
          %dma_start3A_82 = tpu.memref_squeeze %dma_start3A_81 : memref<1x128xi32, #tpu.memory_space<vmem>> -> memref<128xi32, #tpu.memory_space<vmem>>
          %dma_start3A_83 = arith.constant 0 : i32
          %dma_start3A_84 = arith.constant 0 : i32
          %dma_start3A_85 = tpu.memref_slice %arg2[%dma_start3A_83, %dma_start3A_84] : memref<20480x128xf32, #tpu.memory_space<hbm>> -> memref<20480x128xf32, #tpu.memory_space<hbm>>
          tpu.enqueue_indirect_dma source(%dma_start3A_85 : memref<20480x128xf32, #tpu.memory_space<hbm>>) target(%arg8 : memref<128x128xf32, #tpu.memory_space<vmem>>) offsets(%dma_start3A_82 : memref<128xi32, #tpu.memory_space<vmem>>) semaphore(%arg11 : memref<!tpu.dma_semaphore, #tpu.memory_space<semaphore_mem>>)
        } else {
        }
        %mul3A_59 = arith.constant 2 : i32
        %mul3A_60 = arith.muli %scan3A_43, %mul3A_59 : i32
        %add3A_61 = arith.constant 1 : i32
        %add3A_62 = arith.addi %mul3A_60, %add3A_61 : i32
        %dma_wait3A_63 = arith.constant 0 : i32
        %dma_wait3A_64 = arith.constant 0 : i32
        %dma_wait3A_65 = tpu.memref_slice %arg6[%dma_wait3A_63, %dma_wait3A_64] : memref<40x128xi32, #tpu.memory_space<vmem>> -> memref<1x128xi32, #tpu.memory_space<vmem>>
        %dma_wait3A_66 = tpu.memref_squeeze %dma_wait3A_65 : memref<1x128xi32, #tpu.memory_space<vmem>> -> memref<128xi32, #tpu.memory_space<vmem>>
        %dma_wait3A_67 = arith.constant 0 : i32
        %dma_wait3A_68 = arith.constant 0 : i32
        %dma_wait3A_69 = tpu.memref_slice %arg2[%dma_wait3A_67, %dma_wait3A_68] : memref<20480x128xf32, #tpu.memory_space<hbm>> -> memref<20480x128xf32, #tpu.memory_space<hbm>>
        tpu.wait_indirect_dma semaphore(%arg12 : memref<!tpu.dma_semaphore, #tpu.memory_space<semaphore_mem>>) src(%dma_wait3A_69 : memref<20480x128xf32, #tpu.memory_space<hbm>>) dst(%arg9 : memref<128x128xf32, #tpu.memory_space<vmem>>)
        "tpu.region"() ({
          %run_scoped3A = tpu.sem_alloc : memref<!tpu.dma_semaphore, #tpu.memory_space<semaphore_mem>>
          %dma_start3A_78 = arith.constant 0 : i32
          %dma_start3A_79 = tpu.memref_slice %arg7[%add3A_62, %dma_start3A_78] : memref<40x128xi32, #tpu.memory_space<vmem>> -> memref<1x128xi32, #tpu.memory_space<vmem>>
          %dma_start3A_80 = tpu.memref_squeeze %dma_start3A_79 : memref<1x128xi32, #tpu.memory_space<vmem>> -> memref<128xi32, #tpu.memory_space<vmem>>
          %dma_start3A_81 = arith.constant 0 : i32
          %dma_start3A_82 = arith.constant 0 : i32
          %dma_start3A_83 = tpu.memref_slice %arg10[%dma_start3A_81, %dma_start3A_82] : memref<10240x128xf32, #tpu.memory_space<vmem_shared>> -> memref<10240x128xf32, #tpu.memory_space<vmem_shared>>
          tpu.enqueue_indirect_dma source(%arg9 : memref<128x128xf32, #tpu.memory_space<vmem>>) target(%dma_start3A_83 : memref<10240x128xf32, #tpu.memory_space<vmem_shared>>) offsets(%dma_start3A_80 : memref<128xi32, #tpu.memory_space<vmem>>) semaphore(%run_scoped3A : memref<!tpu.dma_semaphore, #tpu.memory_space<semaphore_mem>>) {add = true}
          %dma_wait3A_84 = arith.constant 0 : i32
          %dma_wait3A_85 = tpu.memref_slice %arg7[%add3A_62, %dma_wait3A_84] : memref<40x128xi32, #tpu.memory_space<vmem>> -> memref<1x128xi32, #tpu.memory_space<vmem>>
          %dma_wait3A_86 = tpu.memref_squeeze %dma_wait3A_85 : memref<1x128xi32, #tpu.memory_space<vmem>> -> memref<128xi32, #tpu.memory_space<vmem>>
          %dma_wait3A_87 = arith.constant 0 : i32
          %dma_wait3A_88 = arith.constant 0 : i32
          %dma_wait3A_89 = tpu.memref_slice %arg10[%dma_wait3A_87, %dma_wait3A_88] : memref<10240x128xf32, #tpu.memory_space<vmem_shared>> -> memref<10240x128xf32, #tpu.memory_space<vmem_shared>>
          tpu.wait_indirect_dma semaphore(%run_scoped3A : memref<!tpu.dma_semaphore, #tpu.memory_space<semaphore_mem>>) src(%arg9 : memref<128x128xf32, #tpu.memory_space<vmem>>) dst(%dma_wait3A_89 : memref<10240x128xf32, #tpu.memory_space<vmem_shared>>)
          tpu.yield
        }) : () -> ()
        %add3A_70 = arith.constant 2 : i32
        %add3A_71 = arith.addi %add3A_62, %add3A_70 : i32
        %lt3A_72 = arith.constant 40 : i32
        %lt3A_73 = arith.cmpi slt, %add3A_71, %lt3A_72 : i32
        %convert_element_type3A_74 = arith.extui %lt3A_73 : i1 to i32
        %cond3A_75 = arith.constant 0 : i32
        %cond3A_76 = arith.cmpi ne, %convert_element_type3A_74, %cond3A_75 : i32
        scf.if %cond3A_76 {
          %add3A_78 = arith.constant 2 : i32
          %add3A_79 = arith.addi %add3A_62, %add3A_78 : i32
          %dma_start3A_80 = arith.constant 0 : i32
          %dma_start3A_81 = tpu.memref_slice %arg6[%add3A_79, %dma_start3A_80] : memref<40x128xi32, #tpu.memory_space<vmem>> -> memref<1x128xi32, #tpu.memory_space<vmem>>
          %dma_start3A_82 = tpu.memref_squeeze %dma_start3A_81 : memref<1x128xi32, #tpu.memory_space<vmem>> -> memref<128xi32, #tpu.memory_space<vmem>>
          %dma_start3A_83 = arith.constant 0 : i32
          %dma_start3A_84 = arith.constant 0 : i32
          %dma_start3A_85 = tpu.memref_slice %arg2[%dma_start3A_83, %dma_start3A_84] : memref<20480x128xf32, #tpu.memory_space<hbm>> -> memref<20480x128xf32, #tpu.memory_space<hbm>>
          tpu.enqueue_indirect_dma source(%dma_start3A_85 : memref<20480x128xf32, #tpu.memory_space<hbm>>) target(%arg9 : memref<128x128xf32, #tpu.memory_space<vmem>>) offsets(%dma_start3A_82 : memref<128xi32, #tpu.memory_space<vmem>>) semaphore(%arg12 : memref<!tpu.dma_semaphore, #tpu.memory_space<semaphore_mem>>)
        } else {
        }
        %scan3A_77 = arith.constant 0 : i32
        scf.yield %scan3A_77 : i32
      }
      %scan3A_41 = arith.constant 20 : i32
      %scan3A_42 = arith.constant 0 : i32
      scf.yield %scan3A_42 : i32
    }
    %scan3A_10 = arith.constant 2 : i32
    %barrier3A_11 = arith.constant 0 : index
    tpu.barrier barrier_id(%barrier3A_11)
    %mul3A_12 = arith.constant 640 : i32
    %mul3A_13 = arith.muli %arg1, %mul3A_12 : i32
    %mul3A_14 = arith.constant 640 : i32
    %mul3A_15 = arith.muli %arg1, %mul3A_14 : i32
    "tpu.region"() ({
      %run_scoped3A = tpu.sem_alloc : memref<!tpu.dma_semaphore, #tpu.memory_space<semaphore_mem>>
      %dma_start3A = arith.constant 0 : i32
      %dma_start3A_16 = tpu.memref_slice %arg5[%arg0, %mul3A_15, %dma_start3A] : memref<2x10240x128xf32, #tpu.memory_space<hbm>> -> memref<1x640x128xf32, #tpu.memory_space<hbm>>
      %dma_start3A_17 = tpu.memref_squeeze %dma_start3A_16 : memref<1x640x128xf32, #tpu.memory_space<hbm>> -> memref<640x128xf32, #tpu.memory_space<hbm>>
      %dma_start3A_18 = arith.constant 0 : i32
      %dma_start3A_19 = tpu.memref_slice %arg10[%mul3A_13, %dma_start3A_18] : memref<10240x128xf32, #tpu.memory_space<vmem_shared>> -> memref<640x128xf32, #tpu.memory_space<vmem_shared>>
      tpu.enqueue_dma source(%dma_start3A_19 : memref<640x128xf32, #tpu.memory_space<vmem_shared>>) target(%dma_start3A_17 : memref<640x128xf32, #tpu.memory_space<hbm>>) target_semaphore(%run_scoped3A : memref<!tpu.dma_semaphore, #tpu.memory_space<semaphore_mem>>)
      %dma_wait3A = arith.constant 0 : i32
      %dma_wait3A_20 = tpu.memref_slice %arg5[%arg0, %mul3A_15, %dma_wait3A] : memref<2x10240x128xf32, #tpu.memory_space<hbm>> -> memref<1x640x128xf32, #tpu.memory_space<hbm>>
      %dma_wait3A_21 = tpu.memref_squeeze %dma_wait3A_20 : memref<1x640x128xf32, #tpu.memory_space<hbm>> -> memref<640x128xf32, #tpu.memory_space<hbm>>
      %dma_wait3A_22 = arith.constant 0 : i32
      %dma_wait3A_23 = tpu.memref_slice %arg10[%mul3A_13, %dma_wait3A_22] : memref<10240x128xf32, #tpu.memory_space<vmem_shared>> -> memref<640x128xf32, #tpu.memory_space<vmem_shared>>
      tpu.wait_dma2 semaphore(%run_scoped3A : memref<!tpu.dma_semaphore, #tpu.memory_space<semaphore_mem>>) src(%dma_wait3A_23 : memref<640x128xf32, #tpu.memory_space<vmem_shared>>) dst(%dma_wait3A_21 : memref<640x128xf32, #tpu.memory_space<hbm>>)
      tpu.yield
    }) : () -> ()
    return
  }
}

#map = affine_map<(d0, d1) -> (0, 0, 0, 0)>
#map1 = affine_map<(d0, d1) -> (0, 0)>
#map2 = affine_map<(d0, d1) -> (0, 0, 0)>
module attributes {stable_mosaic.version = 14 : i64} {
  func.func @_deg_body(%arg0: i32, %arg1: i32, %arg2: memref<2x16x80x128xi32, #tpu.memory_space<hbm>>, %arg3: memref<10240x128xf32, #tpu.memory_space<hbm>>, %arg4: memref<128x128xf32, #tpu.memory_space<hbm>>, %arg5: memref<2x10240x128xf32, #tpu.memory_space<hbm>>, %arg6: memref<80x128xi32, #tpu.memory_space<vmem>>, %arg7: memref<128x128xf32, #tpu.memory_space<vmem>>, %arg8: memref<10240x128xf32, #tpu.memory_space<vmem_shared>>, %arg9: memref<!tpu.dma_semaphore, #tpu.memory_space<semaphore_mem>>) attributes {dimension_semantics = [#tpu.dimension_semantics<core_parallel>, #tpu.dimension_semantics<subcore_parallel>], iteration_bounds = array<i64: 2, 16>, scalar_prefetch = 0 : i64, scratch_operands = 4 : i64, tpu.core_type = #tpu.core_type<sc_vector_subcore>, window_params = [{transform_indices = #map}, {transform_indices = #map1}, {transform_indices = #map1}, {transform_indices = #map2}]} {
    %mul3A = arith.constant 640 : i32
    %mul3A_0 = arith.muli %arg1, %mul3A : i32
    %mul3A_1 = arith.constant 640 : i32
    %mul3A_2 = arith.muli %arg1, %mul3A_1 : i32
    "tpu.region"() ({
      %run_scoped3A = tpu.sem_alloc : memref<!tpu.dma_semaphore, #tpu.memory_space<semaphore_mem>>
      %dma_start3A = arith.constant 0 : i32
      %dma_start3A_14 = tpu.memref_slice %arg8[%mul3A_2, %dma_start3A] : memref<10240x128xf32, #tpu.memory_space<vmem_shared>> -> memref<640x128xf32, #tpu.memory_space<vmem_shared>>
      %dma_start3A_15 = arith.constant 0 : i32
      %dma_start3A_16 = tpu.memref_slice %arg3[%mul3A_0, %dma_start3A_15] : memref<10240x128xf32, #tpu.memory_space<hbm>> -> memref<640x128xf32, #tpu.memory_space<hbm>>
      tpu.enqueue_dma source(%dma_start3A_16 : memref<640x128xf32, #tpu.memory_space<hbm>>) target(%dma_start3A_14 : memref<640x128xf32, #tpu.memory_space<vmem_shared>>) target_semaphore(%run_scoped3A : memref<!tpu.dma_semaphore, #tpu.memory_space<semaphore_mem>>)
      %dma_wait3A = arith.constant 0 : i32
      %dma_wait3A_17 = tpu.memref_slice %arg8[%mul3A_2, %dma_wait3A] : memref<10240x128xf32, #tpu.memory_space<vmem_shared>> -> memref<640x128xf32, #tpu.memory_space<vmem_shared>>
      %dma_wait3A_18 = arith.constant 0 : i32
      %dma_wait3A_19 = tpu.memref_slice %arg3[%mul3A_0, %dma_wait3A_18] : memref<10240x128xf32, #tpu.memory_space<hbm>> -> memref<640x128xf32, #tpu.memory_space<hbm>>
      tpu.wait_dma2 semaphore(%run_scoped3A : memref<!tpu.dma_semaphore, #tpu.memory_space<semaphore_mem>>) src(%dma_wait3A_19 : memref<640x128xf32, #tpu.memory_space<hbm>>) dst(%dma_wait3A_17 : memref<640x128xf32, #tpu.memory_space<vmem_shared>>)
      tpu.yield
    }) : () -> ()
    "tpu.region"() ({
      %run_scoped3A = tpu.sem_alloc : memref<!tpu.dma_semaphore, #tpu.memory_space<semaphore_mem>>
      %dma_start3A = arith.constant 0 : i32
      %dma_start3A_14 = arith.constant 0 : i32
      %dma_start3A_15 = tpu.memref_slice %arg2[%arg0, %arg1, %dma_start3A, %dma_start3A_14] : memref<2x16x80x128xi32, #tpu.memory_space<hbm>> -> memref<1x1x80x128xi32, #tpu.memory_space<hbm>>
      %dma_start3A_16 = tpu.memref_squeeze %dma_start3A_15 : memref<1x1x80x128xi32, #tpu.memory_space<hbm>> -> memref<80x128xi32, #tpu.memory_space<hbm>>
      %dma_start3A_17 = arith.constant 0 : i32
      %dma_start3A_18 = arith.constant 0 : i32
      %dma_start3A_19 = tpu.memref_slice %arg2[%arg0, %arg1, %dma_start3A_17, %dma_start3A_18] : memref<2x16x80x128xi32, #tpu.memory_space<hbm>> -> memref<1x1x80x128xi32, #tpu.memory_space<hbm>>
      %dma_start3A_20 = tpu.memref_squeeze %dma_start3A_19 : memref<1x1x80x128xi32, #tpu.memory_space<hbm>> -> memref<80x128xi32, #tpu.memory_space<hbm>>
      tpu.enqueue_dma source(%dma_start3A_20 : memref<80x128xi32, #tpu.memory_space<hbm>>) target(%arg6 : memref<80x128xi32, #tpu.memory_space<vmem>>) target_semaphore(%run_scoped3A : memref<!tpu.dma_semaphore, #tpu.memory_space<semaphore_mem>>)
      %dma_wait3A = arith.constant 0 : i32
      %dma_wait3A_21 = arith.constant 0 : i32
      %dma_wait3A_22 = tpu.memref_slice %arg2[%arg0, %arg1, %dma_wait3A, %dma_wait3A_21] : memref<2x16x80x128xi32, #tpu.memory_space<hbm>> -> memref<1x1x80x128xi32, #tpu.memory_space<hbm>>
      %dma_wait3A_23 = tpu.memref_squeeze %dma_wait3A_22 : memref<1x1x80x128xi32, #tpu.memory_space<hbm>> -> memref<80x128xi32, #tpu.memory_space<hbm>>
      %dma_wait3A_24 = arith.constant 0 : i32
      %dma_wait3A_25 = arith.constant 0 : i32
      %dma_wait3A_26 = tpu.memref_slice %arg2[%arg0, %arg1, %dma_wait3A_24, %dma_wait3A_25] : memref<2x16x80x128xi32, #tpu.memory_space<hbm>> -> memref<1x1x80x128xi32, #tpu.memory_space<hbm>>
      %dma_wait3A_27 = tpu.memref_squeeze %dma_wait3A_26 : memref<1x1x80x128xi32, #tpu.memory_space<hbm>> -> memref<80x128xi32, #tpu.memory_space<hbm>>
      tpu.wait_dma2 semaphore(%run_scoped3A : memref<!tpu.dma_semaphore, #tpu.memory_space<semaphore_mem>>) src(%dma_wait3A_27 : memref<80x128xi32, #tpu.memory_space<hbm>>) dst(%arg6 : memref<80x128xi32, #tpu.memory_space<vmem>>)
      tpu.yield
    }) : () -> ()
    "tpu.region"() ({
      %run_scoped3A = tpu.sem_alloc : memref<!tpu.dma_semaphore, #tpu.memory_space<semaphore_mem>>
      tpu.enqueue_dma source(%arg4 : memref<128x128xf32, #tpu.memory_space<hbm>>) target(%arg7 : memref<128x128xf32, #tpu.memory_space<vmem>>) target_semaphore(%run_scoped3A : memref<!tpu.dma_semaphore, #tpu.memory_space<semaphore_mem>>)
      tpu.wait_dma2 semaphore(%run_scoped3A : memref<!tpu.dma_semaphore, #tpu.memory_space<semaphore_mem>>) src(%arg4 : memref<128x128xf32, #tpu.memory_space<hbm>>) dst(%arg7 : memref<128x128xf32, #tpu.memory_space<vmem>>)
      tpu.yield
    }) : () -> ()
    %barrier3A = arith.constant 0 : index
    tpu.barrier barrier_id(%barrier3A)
    %scan3A = arith.constant 0 : i32
    %scan3A_3 = arith.constant 0 : i32
    %scan3A_4 = arith.constant 80 : i32
    %scan3A_5 = arith.addi %scan3A_3, %scan3A_4 : i32
    %scan3A_6 = arith.constant 1 : i32
    %scan3A_7 = scf.for %scan3A_14 = %scan3A_3 to %scan3A_5 step %scan3A_6 iter_args(%scan3A_15 = %scan3A) -> (i32)  : i32 {
      "tpu.region"() ({
        %run_scoped3A = tpu.sem_alloc : memref<!tpu.dma_semaphore, #tpu.memory_space<semaphore_mem>>
        %dma_start3A = arith.constant 0 : i32
        %dma_start3A_17 = tpu.memref_slice %arg6[%scan3A_14, %dma_start3A] : memref<80x128xi32, #tpu.memory_space<vmem>> -> memref<1x128xi32, #tpu.memory_space<vmem>>
        %dma_start3A_18 = tpu.memref_squeeze %dma_start3A_17 : memref<1x128xi32, #tpu.memory_space<vmem>> -> memref<128xi32, #tpu.memory_space<vmem>>
        %dma_start3A_19 = arith.constant 0 : i32
        %dma_start3A_20 = arith.constant 0 : i32
        %dma_start3A_21 = tpu.memref_slice %arg8[%dma_start3A_19, %dma_start3A_20] : memref<10240x128xf32, #tpu.memory_space<vmem_shared>> -> memref<10240x128xf32, #tpu.memory_space<vmem_shared>>
        tpu.enqueue_indirect_dma source(%arg7 : memref<128x128xf32, #tpu.memory_space<vmem>>) target(%dma_start3A_21 : memref<10240x128xf32, #tpu.memory_space<vmem_shared>>) offsets(%dma_start3A_18 : memref<128xi32, #tpu.memory_space<vmem>>) semaphore(%run_scoped3A : memref<!tpu.dma_semaphore, #tpu.memory_space<semaphore_mem>>) {add = true}
        %dma_wait3A = arith.constant 0 : i32
        %dma_wait3A_22 = tpu.memref_slice %arg6[%scan3A_14, %dma_wait3A] : memref<80x128xi32, #tpu.memory_space<vmem>> -> memref<1x128xi32, #tpu.memory_space<vmem>>
        %dma_wait3A_23 = tpu.memref_squeeze %dma_wait3A_22 : memref<1x128xi32, #tpu.memory_space<vmem>> -> memref<128xi32, #tpu.memory_space<vmem>>
        %dma_wait3A_24 = arith.constant 0 : i32
        %dma_wait3A_25 = arith.constant 0 : i32
        %dma_wait3A_26 = tpu.memref_slice %arg8[%dma_wait3A_24, %dma_wait3A_25] : memref<10240x128xf32, #tpu.memory_space<vmem_shared>> -> memref<10240x128xf32, #tpu.memory_space<vmem_shared>>
        tpu.wait_indirect_dma semaphore(%run_scoped3A : memref<!tpu.dma_semaphore, #tpu.memory_space<semaphore_mem>>) src(%arg7 : memref<128x128xf32, #tpu.memory_space<vmem>>) dst(%dma_wait3A_26 : memref<10240x128xf32, #tpu.memory_space<vmem_shared>>)
        tpu.yield
      }) : () -> ()
      %scan3A_16 = arith.constant 0 : i32
      scf.yield %scan3A_16 : i32
    }
    %scan3A_8 = arith.constant 80 : i32
    %barrier3A_9 = arith.constant 0 : index
    tpu.barrier barrier_id(%barrier3A_9)
    %mul3A_10 = arith.constant 640 : i32
    %mul3A_11 = arith.muli %arg1, %mul3A_10 : i32
    %mul3A_12 = arith.constant 640 : i32
    %mul3A_13 = arith.muli %arg1, %mul3A_12 : i32
    "tpu.region"() ({
      %run_scoped3A = tpu.sem_alloc : memref<!tpu.dma_semaphore, #tpu.memory_space<semaphore_mem>>
      %dma_start3A = arith.constant 0 : i32
      %dma_start3A_14 = tpu.memref_slice %arg5[%arg0, %mul3A_13, %dma_start3A] : memref<2x10240x128xf32, #tpu.memory_space<hbm>> -> memref<1x640x128xf32, #tpu.memory_space<hbm>>
      %dma_start3A_15 = tpu.memref_squeeze %dma_start3A_14 : memref<1x640x128xf32, #tpu.memory_space<hbm>> -> memref<640x128xf32, #tpu.memory_space<hbm>>
      %dma_start3A_16 = arith.constant 0 : i32
      %dma_start3A_17 = tpu.memref_slice %arg8[%mul3A_11, %dma_start3A_16] : memref<10240x128xf32, #tpu.memory_space<vmem_shared>> -> memref<640x128xf32, #tpu.memory_space<vmem_shared>>
      tpu.enqueue_dma source(%dma_start3A_17 : memref<640x128xf32, #tpu.memory_space<vmem_shared>>) target(%dma_start3A_15 : memref<640x128xf32, #tpu.memory_space<hbm>>) target_semaphore(%run_scoped3A : memref<!tpu.dma_semaphore, #tpu.memory_space<semaphore_mem>>)
      %dma_wait3A = arith.constant 0 : i32
      %dma_wait3A_18 = tpu.memref_slice %arg5[%arg0, %mul3A_13, %dma_wait3A] : memref<2x10240x128xf32, #tpu.memory_space<hbm>> -> memref<1x640x128xf32, #tpu.memory_space<hbm>>
      %dma_wait3A_19 = tpu.memref_squeeze %dma_wait3A_18 : memref<1x640x128xf32, #tpu.memory_space<hbm>> -> memref<640x128xf32, #tpu.memory_space<hbm>>
      %dma_wait3A_20 = arith.constant 0 : i32
      %dma_wait3A_21 = tpu.memref_slice %arg8[%mul3A_11, %dma_wait3A_20] : memref<10240x128xf32, #tpu.memory_space<vmem_shared>> -> memref<640x128xf32, #tpu.memory_space<vmem_shared>>
      tpu.wait_dma2 semaphore(%run_scoped3A : memref<!tpu.dma_semaphore, #tpu.memory_space<semaphore_mem>>) src(%dma_wait3A_21 : memref<640x128xf32, #tpu.memory_space<vmem_shared>>) dst(%dma_wait3A_19 : memref<640x128xf32, #tpu.memory_space<hbm>>)
      tpu.yield
    }) : () -> ()
    return
  }
}

#map = affine_map<(d0, d1) -> (0, 0)>
#map1 = affine_map<(d0, d1) -> (0, 0, 0, 0)>
#map2 = affine_map<(d0, d1) -> (0, 0, 0)>
module attributes {stable_mosaic.version = 14 : i64} {
  func.func @body(%arg0: i32, %arg1: i32, %arg2: memref<20480x128xf32, #tpu.memory_space<hbm>>, %arg3: memref<2x16x160x128xi32, #tpu.memory_space<hbm>>, %arg4: memref<2x16x160x128xi32, #tpu.memory_space<hbm>>, %arg5: memref<2x10240x128xf32, #tpu.memory_space<hbm>>, %arg6: memref<40x128xi32, #tpu.memory_space<vmem>>, %arg7: memref<40x128xi32, #tpu.memory_space<vmem>>, %arg8: memref<128x128xf32, #tpu.memory_space<vmem>>, %arg9: memref<128x128xf32, #tpu.memory_space<vmem>>, %arg10: memref<10240x128xf32, #tpu.memory_space<vmem_shared>>, %arg11: memref<!tpu.dma_semaphore, #tpu.memory_space<semaphore_mem>>, %arg12: memref<!tpu.dma_semaphore, #tpu.memory_space<semaphore_mem>>) attributes {dimension_semantics = [#tpu.dimension_semantics<core_parallel>, #tpu.dimension_semantics<subcore_parallel>], iteration_bounds = array<i64: 2, 16>, scalar_prefetch = 0 : i64, scratch_operands = 7 : i64, tpu.core_type = #tpu.core_type<sc_vector_subcore>, window_params = [{transform_indices = #map}, {transform_indices = #map1}, {transform_indices = #map1}, {transform_indices = #map2}]} {
    %mul3A = arith.constant 10240 : i32
    %mul3A_0 = arith.muli %arg0, %mul3A : i32
    %mul3A_1 = arith.constant 640 : i32
    %mul3A_2 = arith.muli %arg1, %mul3A_1 : i32
    %add3A = arith.addi %mul3A_0, %mul3A_2 : i32
    %mul3A_3 = arith.constant 640 : i32
    %mul3A_4 = arith.muli %arg1, %mul3A_3 : i32
    "tpu.region"() ({
      %run_scoped3A = tpu.sem_alloc : memref<!tpu.dma_semaphore, #tpu.memory_space<semaphore_mem>>
      %dma_start3A = arith.constant 0 : i32
      %dma_start3A_16 = tpu.memref_slice %arg10[%mul3A_4, %dma_start3A] : memref<10240x128xf32, #tpu.memory_space<vmem_shared>> -> memref<640x128xf32, #tpu.memory_space<vmem_shared>>
      %dma_start3A_17 = arith.constant 0 : i32
      %dma_start3A_18 = tpu.memref_slice %arg2[%add3A, %dma_start3A_17] : memref<20480x128xf32, #tpu.memory_space<hbm>> -> memref<640x128xf32, #tpu.memory_space<hbm>>
      tpu.enqueue_dma source(%dma_start3A_18 : memref<640x128xf32, #tpu.memory_space<hbm>>) target(%dma_start3A_16 : memref<640x128xf32, #tpu.memory_space<vmem_shared>>) target_semaphore(%run_scoped3A : memref<!tpu.dma_semaphore, #tpu.memory_space<semaphore_mem>>)
      %dma_wait3A = arith.constant 0 : i32
      %dma_wait3A_19 = tpu.memref_slice %arg10[%mul3A_4, %dma_wait3A] : memref<10240x128xf32, #tpu.memory_space<vmem_shared>> -> memref<640x128xf32, #tpu.memory_space<vmem_shared>>
      %dma_wait3A_20 = arith.constant 0 : i32
      %dma_wait3A_21 = tpu.memref_slice %arg2[%add3A, %dma_wait3A_20] : memref<20480x128xf32, #tpu.memory_space<hbm>> -> memref<640x128xf32, #tpu.memory_space<hbm>>
      tpu.wait_dma2 semaphore(%run_scoped3A : memref<!tpu.dma_semaphore, #tpu.memory_space<semaphore_mem>>) src(%dma_wait3A_21 : memref<640x128xf32, #tpu.memory_space<hbm>>) dst(%dma_wait3A_19 : memref<640x128xf32, #tpu.memory_space<vmem_shared>>)
      tpu.yield
    }) : () -> ()
    %barrier3A = arith.constant 0 : index
    tpu.barrier barrier_id(%barrier3A)
    %scan3A = arith.constant 0 : i32
    %scan3A_5 = arith.constant 0 : i32
    %scan3A_6 = arith.constant 4 : i32
    %scan3A_7 = arith.addi %scan3A_5, %scan3A_6 : i32
    %scan3A_8 = arith.constant 1 : i32
    %scan3A_9 = scf.for %scan3A_16 = %scan3A_5 to %scan3A_7 step %scan3A_8 iter_args(%scan3A_17 = %scan3A) -> (i32)  : i32 {
      %mul3A_18 = arith.constant 40 : i32
      %mul3A_19 = arith.muli %scan3A_16, %mul3A_18 : i32
      "tpu.region"() ({
        %run_scoped3A = tpu.sem_alloc : memref<!tpu.dma_semaphore, #tpu.memory_space<semaphore_mem>>
        %dma_start3A_43 = arith.constant 0 : i32
        %dma_start3A_44 = tpu.memref_slice %arg3[%arg0, %arg1, %mul3A_19, %dma_start3A_43] : memref<2x16x160x128xi32, #tpu.memory_space<hbm>> -> memref<1x1x40x128xi32, #tpu.memory_space<hbm>>
        %dma_start3A_45 = tpu.memref_squeeze %dma_start3A_44 : memref<1x1x40x128xi32, #tpu.memory_space<hbm>> -> memref<40x128xi32, #tpu.memory_space<hbm>>
        %dma_start3A_46 = arith.constant 0 : i32
        %dma_start3A_47 = tpu.memref_slice %arg3[%arg0, %arg1, %mul3A_19, %dma_start3A_46] : memref<2x16x160x128xi32, #tpu.memory_space<hbm>> -> memref<1x1x40x128xi32, #tpu.memory_space<hbm>>
        %dma_start3A_48 = tpu.memref_squeeze %dma_start3A_47 : memref<1x1x40x128xi32, #tpu.memory_space<hbm>> -> memref<40x128xi32, #tpu.memory_space<hbm>>
        tpu.enqueue_dma source(%dma_start3A_48 : memref<40x128xi32, #tpu.memory_space<hbm>>) target(%arg6 : memref<40x128xi32, #tpu.memory_space<vmem>>) target_semaphore(%run_scoped3A : memref<!tpu.dma_semaphore, #tpu.memory_space<semaphore_mem>>)
        %dma_wait3A = arith.constant 0 : i32
        %dma_wait3A_49 = tpu.memref_slice %arg3[%arg0, %arg1, %mul3A_19, %dma_wait3A] : memref<2x16x160x128xi32, #tpu.memory_space<hbm>> -> memref<1x1x40x128xi32, #tpu.memory_space<hbm>>
        %dma_wait3A_50 = tpu.memref_squeeze %dma_wait3A_49 : memref<1x1x40x128xi32, #tpu.memory_space<hbm>> -> memref<40x128xi32, #tpu.memory_space<hbm>>
        %dma_wait3A_51 = arith.constant 0 : i32
        %dma_wait3A_52 = tpu.memref_slice %arg3[%arg0, %arg1, %mul3A_19, %dma_wait3A_51] : memref<2x16x160x128xi32, #tpu.memory_space<hbm>> -> memref<1x1x40x128xi32, #tpu.memory_space<hbm>>
        %dma_wait3A_53 = tpu.memref_squeeze %dma_wait3A_52 : memref<1x1x40x128xi32, #tpu.memory_space<hbm>> -> memref<40x128xi32, #tpu.memory_space<hbm>>
        tpu.wait_dma2 semaphore(%run_scoped3A : memref<!tpu.dma_semaphore, #tpu.memory_space<semaphore_mem>>) src(%dma_wait3A_53 : memref<40x128xi32, #tpu.memory_space<hbm>>) dst(%arg6 : memref<40x128xi32, #tpu.memory_space<vmem>>)
        tpu.yield
      }) : () -> ()
      %mul3A_20 = arith.constant 40 : i32
      %mul3A_21 = arith.muli %scan3A_16, %mul3A_20 : i32
      "tpu.region"() ({
        %run_scoped3A = tpu.sem_alloc : memref<!tpu.dma_semaphore, #tpu.memory_space<semaphore_mem>>
        %dma_start3A_43 = arith.constant 0 : i32
        %dma_start3A_44 = tpu.memref_slice %arg4[%arg0, %arg1, %mul3A_21, %dma_start3A_43] : memref<2x16x160x128xi32, #tpu.memory_space<hbm>> -> memref<1x1x40x128xi32, #tpu.memory_space<hbm>>
        %dma_start3A_45 = tpu.memref_squeeze %dma_start3A_44 : memref<1x1x40x128xi32, #tpu.memory_space<hbm>> -> memref<40x128xi32, #tpu.memory_space<hbm>>
        %dma_start3A_46 = arith.constant 0 : i32
        %dma_start3A_47 = tpu.memref_slice %arg4[%arg0, %arg1, %mul3A_21, %dma_start3A_46] : memref<2x16x160x128xi32, #tpu.memory_space<hbm>> -> memref<1x1x40x128xi32, #tpu.memory_space<hbm>>
        %dma_start3A_48 = tpu.memref_squeeze %dma_start3A_47 : memref<1x1x40x128xi32, #tpu.memory_space<hbm>> -> memref<40x128xi32, #tpu.memory_space<hbm>>
        tpu.enqueue_dma source(%dma_start3A_48 : memref<40x128xi32, #tpu.memory_space<hbm>>) target(%arg7 : memref<40x128xi32, #tpu.memory_space<vmem>>) target_semaphore(%run_scoped3A : memref<!tpu.dma_semaphore, #tpu.memory_space<semaphore_mem>>)
        %dma_wait3A = arith.constant 0 : i32
        %dma_wait3A_49 = tpu.memref_slice %arg4[%arg0, %arg1, %mul3A_21, %dma_wait3A] : memref<2x16x160x128xi32, #tpu.memory_space<hbm>> -> memref<1x1x40x128xi32, #tpu.memory_space<hbm>>
        %dma_wait3A_50 = tpu.memref_squeeze %dma_wait3A_49 : memref<1x1x40x128xi32, #tpu.memory_space<hbm>> -> memref<40x128xi32, #tpu.memory_space<hbm>>
        %dma_wait3A_51 = arith.constant 0 : i32
        %dma_wait3A_52 = tpu.memref_slice %arg4[%arg0, %arg1, %mul3A_21, %dma_wait3A_51] : memref<2x16x160x128xi32, #tpu.memory_space<hbm>> -> memref<1x1x40x128xi32, #tpu.memory_space<hbm>>
        %dma_wait3A_53 = tpu.memref_squeeze %dma_wait3A_52 : memref<1x1x40x128xi32, #tpu.memory_space<hbm>> -> memref<40x128xi32, #tpu.memory_space<hbm>>
        tpu.wait_dma2 semaphore(%run_scoped3A : memref<!tpu.dma_semaphore, #tpu.memory_space<semaphore_mem>>) src(%dma_wait3A_53 : memref<40x128xi32, #tpu.memory_space<hbm>>) dst(%arg7 : memref<40x128xi32, #tpu.memory_space<vmem>>)
        tpu.yield
      }) : () -> ()
      %dma_start3A = arith.constant 0 : i32
      %dma_start3A_22 = arith.constant 0 : i32
      %dma_start3A_23 = tpu.memref_slice %arg6[%dma_start3A, %dma_start3A_22] : memref<40x128xi32, #tpu.memory_space<vmem>> -> memref<1x128xi32, #tpu.memory_space<vmem>>
      %dma_start3A_24 = tpu.memref_squeeze %dma_start3A_23 : memref<1x128xi32, #tpu.memory_space<vmem>> -> memref<128xi32, #tpu.memory_space<vmem>>
      %dma_start3A_25 = arith.constant 0 : i32
      %dma_start3A_26 = arith.constant 0 : i32
      %dma_start3A_27 = tpu.memref_slice %arg2[%dma_start3A_25, %dma_start3A_26] : memref<20480x128xf32, #tpu.memory_space<hbm>> -> memref<20480x128xf32, #tpu.memory_space<hbm>>
      tpu.enqueue_indirect_dma source(%dma_start3A_27 : memref<20480x128xf32, #tpu.memory_space<hbm>>) target(%arg8 : memref<128x128xf32, #tpu.memory_space<vmem>>) offsets(%dma_start3A_24 : memref<128xi32, #tpu.memory_space<vmem>>) semaphore(%arg11 : memref<!tpu.dma_semaphore, #tpu.memory_space<semaphore_mem>>)
      %dma_start3A_28 = arith.constant 1 : i32
      %dma_start3A_29 = arith.constant 0 : i32
      %dma_start3A_30 = tpu.memref_slice %arg6[%dma_start3A_28, %dma_start3A_29] : memref<40x128xi32, #tpu.memory_space<vmem>> -> memref<1x128xi32, #tpu.memory_space<vmem>>
      %dma_start3A_31 = tpu.memref_squeeze %dma_start3A_30 : memref<1x128xi32, #tpu.memory_space<vmem>> -> memref<128xi32, #tpu.memory_space<vmem>>
      %dma_start3A_32 = arith.constant 0 : i32
      %dma_start3A_33 = arith.constant 0 : i32
      %dma_start3A_34 = tpu.memref_slice %arg2[%dma_start3A_32, %dma_start3A_33] : memref<20480x128xf32, #tpu.memory_space<hbm>> -> memref<20480x128xf32, #tpu.memory_space<hbm>>
      tpu.enqueue_indirect_dma source(%dma_start3A_34 : memref<20480x128xf32, #tpu.memory_space<hbm>>) target(%arg9 : memref<128x128xf32, #tpu.memory_space<vmem>>) offsets(%dma_start3A_31 : memref<128xi32, #tpu.memory_space<vmem>>) semaphore(%arg12 : memref<!tpu.dma_semaphore, #tpu.memory_space<semaphore_mem>>)
      %scan3A_35 = arith.constant 0 : i32
      %scan3A_36 = arith.constant 0 : i32
      %scan3A_37 = arith.constant 20 : i32
      %scan3A_38 = arith.addi %scan3A_36, %scan3A_37 : i32
      %scan3A_39 = arith.constant 1 : i32
      %scan3A_40 = scf.for %scan3A_43 = %scan3A_36 to %scan3A_38 step %scan3A_39 iter_args(%scan3A_44 = %scan3A_35) -> (i32)  : i32 {
        %mul3A_45 = arith.constant 2 : i32
        %mul3A_46 = arith.muli %scan3A_43, %mul3A_45 : i32
        %add3A_47 = arith.constant 0 : i32
        %add3A_48 = arith.addi %mul3A_46, %add3A_47 : i32
        %dma_wait3A = arith.constant 0 : i32
        %dma_wait3A_49 = arith.constant 0 : i32
        %dma_wait3A_50 = tpu.memref_slice %arg6[%dma_wait3A, %dma_wait3A_49] : memref<40x128xi32, #tpu.memory_space<vmem>> -> memref<1x128xi32, #tpu.memory_space<vmem>>
        %dma_wait3A_51 = tpu.memref_squeeze %dma_wait3A_50 : memref<1x128xi32, #tpu.memory_space<vmem>> -> memref<128xi32, #tpu.memory_space<vmem>>
        %dma_wait3A_52 = arith.constant 0 : i32
        %dma_wait3A_53 = arith.constant 0 : i32
        %dma_wait3A_54 = tpu.memref_slice %arg2[%dma_wait3A_52, %dma_wait3A_53] : memref<20480x128xf32, #tpu.memory_space<hbm>> -> memref<20480x128xf32, #tpu.memory_space<hbm>>
        tpu.wait_indirect_dma semaphore(%arg11 : memref<!tpu.dma_semaphore, #tpu.memory_space<semaphore_mem>>) src(%dma_wait3A_54 : memref<20480x128xf32, #tpu.memory_space<hbm>>) dst(%arg8 : memref<128x128xf32, #tpu.memory_space<vmem>>)
        "tpu.region"() ({
          %run_scoped3A = tpu.sem_alloc : memref<!tpu.dma_semaphore, #tpu.memory_space<semaphore_mem>>
          %dma_start3A_78 = arith.constant 0 : i32
          %dma_start3A_79 = tpu.memref_slice %arg7[%add3A_48, %dma_start3A_78] : memref<40x128xi32, #tpu.memory_space<vmem>> -> memref<1x128xi32, #tpu.memory_space<vmem>>
          %dma_start3A_80 = tpu.memref_squeeze %dma_start3A_79 : memref<1x128xi32, #tpu.memory_space<vmem>> -> memref<128xi32, #tpu.memory_space<vmem>>
          %dma_start3A_81 = arith.constant 0 : i32
          %dma_start3A_82 = arith.constant 0 : i32
          %dma_start3A_83 = tpu.memref_slice %arg10[%dma_start3A_81, %dma_start3A_82] : memref<10240x128xf32, #tpu.memory_space<vmem_shared>> -> memref<10240x128xf32, #tpu.memory_space<vmem_shared>>
          tpu.enqueue_indirect_dma source(%arg8 : memref<128x128xf32, #tpu.memory_space<vmem>>) target(%dma_start3A_83 : memref<10240x128xf32, #tpu.memory_space<vmem_shared>>) offsets(%dma_start3A_80 : memref<128xi32, #tpu.memory_space<vmem>>) semaphore(%run_scoped3A : memref<!tpu.dma_semaphore, #tpu.memory_space<semaphore_mem>>) {add = true}
          %dma_wait3A_84 = arith.constant 0 : i32
          %dma_wait3A_85 = tpu.memref_slice %arg7[%add3A_48, %dma_wait3A_84] : memref<40x128xi32, #tpu.memory_space<vmem>> -> memref<1x128xi32, #tpu.memory_space<vmem>>
          %dma_wait3A_86 = tpu.memref_squeeze %dma_wait3A_85 : memref<1x128xi32, #tpu.memory_space<vmem>> -> memref<128xi32, #tpu.memory_space<vmem>>
          %dma_wait3A_87 = arith.constant 0 : i32
          %dma_wait3A_88 = arith.constant 0 : i32
          %dma_wait3A_89 = tpu.memref_slice %arg10[%dma_wait3A_87, %dma_wait3A_88] : memref<10240x128xf32, #tpu.memory_space<vmem_shared>> -> memref<10240x128xf32, #tpu.memory_space<vmem_shared>>
          tpu.wait_indirect_dma semaphore(%run_scoped3A : memref<!tpu.dma_semaphore, #tpu.memory_space<semaphore_mem>>) src(%arg8 : memref<128x128xf32, #tpu.memory_space<vmem>>) dst(%dma_wait3A_89 : memref<10240x128xf32, #tpu.memory_space<vmem_shared>>)
          tpu.yield
        }) : () -> ()
        %add3A_55 = arith.constant 2 : i32
        %add3A_56 = arith.addi %add3A_48, %add3A_55 : i32
        %lt3A = arith.constant 40 : i32
        %lt3A_57 = arith.cmpi slt, %add3A_56, %lt3A : i32
        %convert_element_type3A = arith.extui %lt3A_57 : i1 to i32
        %cond3A = arith.constant 0 : i32
        %cond3A_58 = arith.cmpi ne, %convert_element_type3A, %cond3A : i32
        scf.if %cond3A_58 {
          %add3A_78 = arith.constant 2 : i32
          %add3A_79 = arith.addi %add3A_48, %add3A_78 : i32
          %dma_start3A_80 = arith.constant 0 : i32
          %dma_start3A_81 = tpu.memref_slice %arg6[%add3A_79, %dma_start3A_80] : memref<40x128xi32, #tpu.memory_space<vmem>> -> memref<1x128xi32, #tpu.memory_space<vmem>>
          %dma_start3A_82 = tpu.memref_squeeze %dma_start3A_81 : memref<1x128xi32, #tpu.memory_space<vmem>> -> memref<128xi32, #tpu.memory_space<vmem>>
          %dma_start3A_83 = arith.constant 0 : i32
          %dma_start3A_84 = arith.constant 0 : i32
          %dma_start3A_85 = tpu.memref_slice %arg2[%dma_start3A_83, %dma_start3A_84] : memref<20480x128xf32, #tpu.memory_space<hbm>> -> memref<20480x128xf32, #tpu.memory_space<hbm>>
          tpu.enqueue_indirect_dma source(%dma_start3A_85 : memref<20480x128xf32, #tpu.memory_space<hbm>>) target(%arg8 : memref<128x128xf32, #tpu.memory_space<vmem>>) offsets(%dma_start3A_82 : memref<128xi32, #tpu.memory_space<vmem>>) semaphore(%arg11 : memref<!tpu.dma_semaphore, #tpu.memory_space<semaphore_mem>>)
        } else {
        }
        %mul3A_59 = arith.constant 2 : i32
        %mul3A_60 = arith.muli %scan3A_43, %mul3A_59 : i32
        %add3A_61 = arith.constant 1 : i32
        %add3A_62 = arith.addi %mul3A_60, %add3A_61 : i32
        %dma_wait3A_63 = arith.constant 0 : i32
        %dma_wait3A_64 = arith.constant 0 : i32
        %dma_wait3A_65 = tpu.memref_slice %arg6[%dma_wait3A_63, %dma_wait3A_64] : memref<40x128xi32, #tpu.memory_space<vmem>> -> memref<1x128xi32, #tpu.memory_space<vmem>>
        %dma_wait3A_66 = tpu.memref_squeeze %dma_wait3A_65 : memref<1x128xi32, #tpu.memory_space<vmem>> -> memref<128xi32, #tpu.memory_space<vmem>>
        %dma_wait3A_67 = arith.constant 0 : i32
        %dma_wait3A_68 = arith.constant 0 : i32
        %dma_wait3A_69 = tpu.memref_slice %arg2[%dma_wait3A_67, %dma_wait3A_68] : memref<20480x128xf32, #tpu.memory_space<hbm>> -> memref<20480x128xf32, #tpu.memory_space<hbm>>
        tpu.wait_indirect_dma semaphore(%arg12 : memref<!tpu.dma_semaphore, #tpu.memory_space<semaphore_mem>>) src(%dma_wait3A_69 : memref<20480x128xf32, #tpu.memory_space<hbm>>) dst(%arg9 : memref<128x128xf32, #tpu.memory_space<vmem>>)
        "tpu.region"() ({
          %run_scoped3A = tpu.sem_alloc : memref<!tpu.dma_semaphore, #tpu.memory_space<semaphore_mem>>
          %dma_start3A_78 = arith.constant 0 : i32
          %dma_start3A_79 = tpu.memref_slice %arg7[%add3A_62, %dma_start3A_78] : memref<40x128xi32, #tpu.memory_space<vmem>> -> memref<1x128xi32, #tpu.memory_space<vmem>>
          %dma_start3A_80 = tpu.memref_squeeze %dma_start3A_79 : memref<1x128xi32, #tpu.memory_space<vmem>> -> memref<128xi32, #tpu.memory_space<vmem>>
          %dma_start3A_81 = arith.constant 0 : i32
          %dma_start3A_82 = arith.constant 0 : i32
          %dma_start3A_83 = tpu.memref_slice %arg10[%dma_start3A_81, %dma_start3A_82] : memref<10240x128xf32, #tpu.memory_space<vmem_shared>> -> memref<10240x128xf32, #tpu.memory_space<vmem_shared>>
          tpu.enqueue_indirect_dma source(%arg9 : memref<128x128xf32, #tpu.memory_space<vmem>>) target(%dma_start3A_83 : memref<10240x128xf32, #tpu.memory_space<vmem_shared>>) offsets(%dma_start3A_80 : memref<128xi32, #tpu.memory_space<vmem>>) semaphore(%run_scoped3A : memref<!tpu.dma_semaphore, #tpu.memory_space<semaphore_mem>>) {add = true}
          %dma_wait3A_84 = arith.constant 0 : i32
          %dma_wait3A_85 = tpu.memref_slice %arg7[%add3A_62, %dma_wait3A_84] : memref<40x128xi32, #tpu.memory_space<vmem>> -> memref<1x128xi32, #tpu.memory_space<vmem>>
          %dma_wait3A_86 = tpu.memref_squeeze %dma_wait3A_85 : memref<1x128xi32, #tpu.memory_space<vmem>> -> memref<128xi32, #tpu.memory_space<vmem>>
          %dma_wait3A_87 = arith.constant 0 : i32
          %dma_wait3A_88 = arith.constant 0 : i32
          %dma_wait3A_89 = tpu.memref_slice %arg10[%dma_wait3A_87, %dma_wait3A_88] : memref<10240x128xf32, #tpu.memory_space<vmem_shared>> -> memref<10240x128xf32, #tpu.memory_space<vmem_shared>>
          tpu.wait_indirect_dma semaphore(%run_scoped3A : memref<!tpu.dma_semaphore, #tpu.memory_space<semaphore_mem>>) src(%arg9 : memref<128x128xf32, #tpu.memory_space<vmem>>) dst(%dma_wait3A_89 : memref<10240x128xf32, #tpu.memory_space<vmem_shared>>)
          tpu.yield
        }) : () -> ()
        %add3A_70 = arith.constant 2 : i32
        %add3A_71 = arith.addi %add3A_62, %add3A_70 : i32
        %lt3A_72 = arith.constant 40 : i32
        %lt3A_73 = arith.cmpi slt, %add3A_71, %lt3A_72 : i32
        %convert_element_type3A_74 = arith.extui %lt3A_73 : i1 to i32
        %cond3A_75 = arith.constant 0 : i32
        %cond3A_76 = arith.cmpi ne, %convert_element_type3A_74, %cond3A_75 : i32
        scf.if %cond3A_76 {
          %add3A_78 = arith.constant 2 : i32
          %add3A_79 = arith.addi %add3A_62, %add3A_78 : i32
          %dma_start3A_80 = arith.constant 0 : i32
          %dma_start3A_81 = tpu.memref_slice %arg6[%add3A_79, %dma_start3A_80] : memref<40x128xi32, #tpu.memory_space<vmem>> -> memref<1x128xi32, #tpu.memory_space<vmem>>
          %dma_start3A_82 = tpu.memref_squeeze %dma_start3A_81 : memref<1x128xi32, #tpu.memory_space<vmem>> -> memref<128xi32, #tpu.memory_space<vmem>>
          %dma_start3A_83 = arith.constant 0 : i32
          %dma_start3A_84 = arith.constant 0 : i32
          %dma_start3A_85 = tpu.memref_slice %arg2[%dma_start3A_83, %dma_start3A_84] : memref<20480x128xf32, #tpu.memory_space<hbm>> -> memref<20480x128xf32, #tpu.memory_space<hbm>>
          tpu.enqueue_indirect_dma source(%dma_start3A_85 : memref<20480x128xf32, #tpu.memory_space<hbm>>) target(%arg9 : memref<128x128xf32, #tpu.memory_space<vmem>>) offsets(%dma_start3A_82 : memref<128xi32, #tpu.memory_space<vmem>>) semaphore(%arg12 : memref<!tpu.dma_semaphore, #tpu.memory_space<semaphore_mem>>)
        } else {
        }
        %scan3A_77 = arith.constant 0 : i32
        scf.yield %scan3A_77 : i32
      }
      %scan3A_41 = arith.constant 20 : i32
      %scan3A_42 = arith.constant 0 : i32
      scf.yield %scan3A_42 : i32
    }
    %scan3A_10 = arith.constant 4 : i32
    %barrier3A_11 = arith.constant 0 : index
    tpu.barrier barrier_id(%barrier3A_11)
    %mul3A_12 = arith.constant 640 : i32
    %mul3A_13 = arith.muli %arg1, %mul3A_12 : i32
    %mul3A_14 = arith.constant 640 : i32
    %mul3A_15 = arith.muli %arg1, %mul3A_14 : i32
    "tpu.region"() ({
      %run_scoped3A = tpu.sem_alloc : memref<!tpu.dma_semaphore, #tpu.memory_space<semaphore_mem>>
      %dma_start3A = arith.constant 0 : i32
      %dma_start3A_16 = tpu.memref_slice %arg5[%arg0, %mul3A_15, %dma_start3A] : memref<2x10240x128xf32, #tpu.memory_space<hbm>> -> memref<1x640x128xf32, #tpu.memory_space<hbm>>
      %dma_start3A_17 = tpu.memref_squeeze %dma_start3A_16 : memref<1x640x128xf32, #tpu.memory_space<hbm>> -> memref<640x128xf32, #tpu.memory_space<hbm>>
      %dma_start3A_18 = arith.constant 0 : i32
      %dma_start3A_19 = tpu.memref_slice %arg10[%mul3A_13, %dma_start3A_18] : memref<10240x128xf32, #tpu.memory_space<vmem_shared>> -> memref<640x128xf32, #tpu.memory_space<vmem_shared>>
      tpu.enqueue_dma source(%dma_start3A_19 : memref<640x128xf32, #tpu.memory_space<vmem_shared>>) target(%dma_start3A_17 : memref<640x128xf32, #tpu.memory_space<hbm>>) target_semaphore(%run_scoped3A : memref<!tpu.dma_semaphore, #tpu.memory_space<semaphore_mem>>)
      %dma_wait3A = arith.constant 0 : i32
      %dma_wait3A_20 = tpu.memref_slice %arg5[%arg0, %mul3A_15, %dma_wait3A] : memref<2x10240x128xf32, #tpu.memory_space<hbm>> -> memref<1x640x128xf32, #tpu.memory_space<hbm>>
      %dma_wait3A_21 = tpu.memref_squeeze %dma_wait3A_20 : memref<1x640x128xf32, #tpu.memory_space<hbm>> -> memref<640x128xf32, #tpu.memory_space<hbm>>
      %dma_wait3A_22 = arith.constant 0 : i32
      %dma_wait3A_23 = tpu.memref_slice %arg10[%mul3A_13, %dma_wait3A_22] : memref<10240x128xf32, #tpu.memory_space<vmem_shared>> -> memref<640x128xf32, #tpu.memory_space<vmem_shared>>
      tpu.wait_dma2 semaphore(%run_scoped3A : memref<!tpu.dma_semaphore, #tpu.memory_space<semaphore_mem>>) src(%dma_wait3A_23 : memref<640x128xf32, #tpu.memory_space<vmem_shared>>) dst(%dma_wait3A_21 : memref<640x128xf32, #tpu.memory_space<hbm>>)
      tpu.yield
    }) : () -> ()
    return
  }
}

#map = affine_map<(d0, d1) -> (0, 0)>
#map1 = affine_map<(d0, d1) -> (0, 0, 0, 0)>
#map2 = affine_map<(d0, d1) -> (0, 0, 0)>
module attributes {stable_mosaic.version = 14 : i64} {
  func.func @body(%arg0: i32, %arg1: i32, %arg2: memref<20480x128xf32, #tpu.memory_space<hbm>>, %arg3: memref<2x16x160x128xi32, #tpu.memory_space<hbm>>, %arg4: memref<2x16x160x128xi32, #tpu.memory_space<hbm>>, %arg5: memref<2x10240x128xf32, #tpu.memory_space<hbm>>, %arg6: memref<40x128xi32, #tpu.memory_space<vmem>>, %arg7: memref<40x128xi32, #tpu.memory_space<vmem>>, %arg8: memref<128x128xf32, #tpu.memory_space<vmem>>, %arg9: memref<128x128xf32, #tpu.memory_space<vmem>>, %arg10: memref<10240x128xf32, #tpu.memory_space<vmem_shared>>, %arg11: memref<!tpu.dma_semaphore, #tpu.memory_space<semaphore_mem>>, %arg12: memref<!tpu.dma_semaphore, #tpu.memory_space<semaphore_mem>>) attributes {dimension_semantics = [#tpu.dimension_semantics<core_parallel>, #tpu.dimension_semantics<subcore_parallel>], iteration_bounds = array<i64: 2, 16>, scalar_prefetch = 0 : i64, scratch_operands = 7 : i64, tpu.core_type = #tpu.core_type<sc_vector_subcore>, window_params = [{transform_indices = #map}, {transform_indices = #map1}, {transform_indices = #map1}, {transform_indices = #map2}]} {
    %mul3A = arith.constant 10240 : i32
    %mul3A_0 = arith.muli %arg0, %mul3A : i32
    %mul3A_1 = arith.constant 640 : i32
    %mul3A_2 = arith.muli %arg1, %mul3A_1 : i32
    %add3A = arith.addi %mul3A_0, %mul3A_2 : i32
    %mul3A_3 = arith.constant 640 : i32
    %mul3A_4 = arith.muli %arg1, %mul3A_3 : i32
    "tpu.region"() ({
      %run_scoped3A = tpu.sem_alloc : memref<!tpu.dma_semaphore, #tpu.memory_space<semaphore_mem>>
      %dma_start3A = arith.constant 0 : i32
      %dma_start3A_16 = tpu.memref_slice %arg10[%mul3A_4, %dma_start3A] : memref<10240x128xf32, #tpu.memory_space<vmem_shared>> -> memref<640x128xf32, #tpu.memory_space<vmem_shared>>
      %dma_start3A_17 = arith.constant 0 : i32
      %dma_start3A_18 = tpu.memref_slice %arg2[%add3A, %dma_start3A_17] : memref<20480x128xf32, #tpu.memory_space<hbm>> -> memref<640x128xf32, #tpu.memory_space<hbm>>
      tpu.enqueue_dma source(%dma_start3A_18 : memref<640x128xf32, #tpu.memory_space<hbm>>) target(%dma_start3A_16 : memref<640x128xf32, #tpu.memory_space<vmem_shared>>) target_semaphore(%run_scoped3A : memref<!tpu.dma_semaphore, #tpu.memory_space<semaphore_mem>>)
      %dma_wait3A = arith.constant 0 : i32
      %dma_wait3A_19 = tpu.memref_slice %arg10[%mul3A_4, %dma_wait3A] : memref<10240x128xf32, #tpu.memory_space<vmem_shared>> -> memref<640x128xf32, #tpu.memory_space<vmem_shared>>
      %dma_wait3A_20 = arith.constant 0 : i32
      %dma_wait3A_21 = tpu.memref_slice %arg2[%add3A, %dma_wait3A_20] : memref<20480x128xf32, #tpu.memory_space<hbm>> -> memref<640x128xf32, #tpu.memory_space<hbm>>
      tpu.wait_dma2 semaphore(%run_scoped3A : memref<!tpu.dma_semaphore, #tpu.memory_space<semaphore_mem>>) src(%dma_wait3A_21 : memref<640x128xf32, #tpu.memory_space<hbm>>) dst(%dma_wait3A_19 : memref<640x128xf32, #tpu.memory_space<vmem_shared>>)
      tpu.yield
    }) : () -> ()
    %barrier3A = arith.constant 0 : index
    tpu.barrier barrier_id(%barrier3A)
    %scan3A = arith.constant 0 : i32
    %scan3A_5 = arith.constant 0 : i32
    %scan3A_6 = arith.constant 4 : i32
    %scan3A_7 = arith.addi %scan3A_5, %scan3A_6 : i32
    %scan3A_8 = arith.constant 1 : i32
    %scan3A_9 = scf.for %scan3A_16 = %scan3A_5 to %scan3A_7 step %scan3A_8 iter_args(%scan3A_17 = %scan3A) -> (i32)  : i32 {
      %mul3A_18 = arith.constant 40 : i32
      %mul3A_19 = arith.muli %scan3A_16, %mul3A_18 : i32
      "tpu.region"() ({
        %run_scoped3A = tpu.sem_alloc : memref<!tpu.dma_semaphore, #tpu.memory_space<semaphore_mem>>
        %dma_start3A_43 = arith.constant 0 : i32
        %dma_start3A_44 = tpu.memref_slice %arg3[%arg0, %arg1, %mul3A_19, %dma_start3A_43] : memref<2x16x160x128xi32, #tpu.memory_space<hbm>> -> memref<1x1x40x128xi32, #tpu.memory_space<hbm>>
        %dma_start3A_45 = tpu.memref_squeeze %dma_start3A_44 : memref<1x1x40x128xi32, #tpu.memory_space<hbm>> -> memref<40x128xi32, #tpu.memory_space<hbm>>
        %dma_start3A_46 = arith.constant 0 : i32
        %dma_start3A_47 = tpu.memref_slice %arg3[%arg0, %arg1, %mul3A_19, %dma_start3A_46] : memref<2x16x160x128xi32, #tpu.memory_space<hbm>> -> memref<1x1x40x128xi32, #tpu.memory_space<hbm>>
        %dma_start3A_48 = tpu.memref_squeeze %dma_start3A_47 : memref<1x1x40x128xi32, #tpu.memory_space<hbm>> -> memref<40x128xi32, #tpu.memory_space<hbm>>
        tpu.enqueue_dma source(%dma_start3A_48 : memref<40x128xi32, #tpu.memory_space<hbm>>) target(%arg6 : memref<40x128xi32, #tpu.memory_space<vmem>>) target_semaphore(%run_scoped3A : memref<!tpu.dma_semaphore, #tpu.memory_space<semaphore_mem>>)
        %dma_wait3A = arith.constant 0 : i32
        %dma_wait3A_49 = tpu.memref_slice %arg3[%arg0, %arg1, %mul3A_19, %dma_wait3A] : memref<2x16x160x128xi32, #tpu.memory_space<hbm>> -> memref<1x1x40x128xi32, #tpu.memory_space<hbm>>
        %dma_wait3A_50 = tpu.memref_squeeze %dma_wait3A_49 : memref<1x1x40x128xi32, #tpu.memory_space<hbm>> -> memref<40x128xi32, #tpu.memory_space<hbm>>
        %dma_wait3A_51 = arith.constant 0 : i32
        %dma_wait3A_52 = tpu.memref_slice %arg3[%arg0, %arg1, %mul3A_19, %dma_wait3A_51] : memref<2x16x160x128xi32, #tpu.memory_space<hbm>> -> memref<1x1x40x128xi32, #tpu.memory_space<hbm>>
        %dma_wait3A_53 = tpu.memref_squeeze %dma_wait3A_52 : memref<1x1x40x128xi32, #tpu.memory_space<hbm>> -> memref<40x128xi32, #tpu.memory_space<hbm>>
        tpu.wait_dma2 semaphore(%run_scoped3A : memref<!tpu.dma_semaphore, #tpu.memory_space<semaphore_mem>>) src(%dma_wait3A_53 : memref<40x128xi32, #tpu.memory_space<hbm>>) dst(%arg6 : memref<40x128xi32, #tpu.memory_space<vmem>>)
        tpu.yield
      }) : () -> ()
      %mul3A_20 = arith.constant 40 : i32
      %mul3A_21 = arith.muli %scan3A_16, %mul3A_20 : i32
      "tpu.region"() ({
        %run_scoped3A = tpu.sem_alloc : memref<!tpu.dma_semaphore, #tpu.memory_space<semaphore_mem>>
        %dma_start3A_43 = arith.constant 0 : i32
        %dma_start3A_44 = tpu.memref_slice %arg4[%arg0, %arg1, %mul3A_21, %dma_start3A_43] : memref<2x16x160x128xi32, #tpu.memory_space<hbm>> -> memref<1x1x40x128xi32, #tpu.memory_space<hbm>>
        %dma_start3A_45 = tpu.memref_squeeze %dma_start3A_44 : memref<1x1x40x128xi32, #tpu.memory_space<hbm>> -> memref<40x128xi32, #tpu.memory_space<hbm>>
        %dma_start3A_46 = arith.constant 0 : i32
        %dma_start3A_47 = tpu.memref_slice %arg4[%arg0, %arg1, %mul3A_21, %dma_start3A_46] : memref<2x16x160x128xi32, #tpu.memory_space<hbm>> -> memref<1x1x40x128xi32, #tpu.memory_space<hbm>>
        %dma_start3A_48 = tpu.memref_squeeze %dma_start3A_47 : memref<1x1x40x128xi32, #tpu.memory_space<hbm>> -> memref<40x128xi32, #tpu.memory_space<hbm>>
        tpu.enqueue_dma source(%dma_start3A_48 : memref<40x128xi32, #tpu.memory_space<hbm>>) target(%arg7 : memref<40x128xi32, #tpu.memory_space<vmem>>) target_semaphore(%run_scoped3A : memref<!tpu.dma_semaphore, #tpu.memory_space<semaphore_mem>>)
        %dma_wait3A = arith.constant 0 : i32
        %dma_wait3A_49 = tpu.memref_slice %arg4[%arg0, %arg1, %mul3A_21, %dma_wait3A] : memref<2x16x160x128xi32, #tpu.memory_space<hbm>> -> memref<1x1x40x128xi32, #tpu.memory_space<hbm>>
        %dma_wait3A_50 = tpu.memref_squeeze %dma_wait3A_49 : memref<1x1x40x128xi32, #tpu.memory_space<hbm>> -> memref<40x128xi32, #tpu.memory_space<hbm>>
        %dma_wait3A_51 = arith.constant 0 : i32
        %dma_wait3A_52 = tpu.memref_slice %arg4[%arg0, %arg1, %mul3A_21, %dma_wait3A_51] : memref<2x16x160x128xi32, #tpu.memory_space<hbm>> -> memref<1x1x40x128xi32, #tpu.memory_space<hbm>>
        %dma_wait3A_53 = tpu.memref_squeeze %dma_wait3A_52 : memref<1x1x40x128xi32, #tpu.memory_space<hbm>> -> memref<40x128xi32, #tpu.memory_space<hbm>>
        tpu.wait_dma2 semaphore(%run_scoped3A : memref<!tpu.dma_semaphore, #tpu.memory_space<semaphore_mem>>) src(%dma_wait3A_53 : memref<40x128xi32, #tpu.memory_space<hbm>>) dst(%arg7 : memref<40x128xi32, #tpu.memory_space<vmem>>)
        tpu.yield
      }) : () -> ()
      %dma_start3A = arith.constant 0 : i32
      %dma_start3A_22 = arith.constant 0 : i32
      %dma_start3A_23 = tpu.memref_slice %arg6[%dma_start3A, %dma_start3A_22] : memref<40x128xi32, #tpu.memory_space<vmem>> -> memref<1x128xi32, #tpu.memory_space<vmem>>
      %dma_start3A_24 = tpu.memref_squeeze %dma_start3A_23 : memref<1x128xi32, #tpu.memory_space<vmem>> -> memref<128xi32, #tpu.memory_space<vmem>>
      %dma_start3A_25 = arith.constant 0 : i32
      %dma_start3A_26 = arith.constant 0 : i32
      %dma_start3A_27 = tpu.memref_slice %arg2[%dma_start3A_25, %dma_start3A_26] : memref<20480x128xf32, #tpu.memory_space<hbm>> -> memref<20480x128xf32, #tpu.memory_space<hbm>>
      tpu.enqueue_indirect_dma source(%dma_start3A_27 : memref<20480x128xf32, #tpu.memory_space<hbm>>) target(%arg8 : memref<128x128xf32, #tpu.memory_space<vmem>>) offsets(%dma_start3A_24 : memref<128xi32, #tpu.memory_space<vmem>>) semaphore(%arg11 : memref<!tpu.dma_semaphore, #tpu.memory_space<semaphore_mem>>)
      %dma_start3A_28 = arith.constant 1 : i32
      %dma_start3A_29 = arith.constant 0 : i32
      %dma_start3A_30 = tpu.memref_slice %arg6[%dma_start3A_28, %dma_start3A_29] : memref<40x128xi32, #tpu.memory_space<vmem>> -> memref<1x128xi32, #tpu.memory_space<vmem>>
      %dma_start3A_31 = tpu.memref_squeeze %dma_start3A_30 : memref<1x128xi32, #tpu.memory_space<vmem>> -> memref<128xi32, #tpu.memory_space<vmem>>
      %dma_start3A_32 = arith.constant 0 : i32
      %dma_start3A_33 = arith.constant 0 : i32
      %dma_start3A_34 = tpu.memref_slice %arg2[%dma_start3A_32, %dma_start3A_33] : memref<20480x128xf32, #tpu.memory_space<hbm>> -> memref<20480x128xf32, #tpu.memory_space<hbm>>
      tpu.enqueue_indirect_dma source(%dma_start3A_34 : memref<20480x128xf32, #tpu.memory_space<hbm>>) target(%arg9 : memref<128x128xf32, #tpu.memory_space<vmem>>) offsets(%dma_start3A_31 : memref<128xi32, #tpu.memory_space<vmem>>) semaphore(%arg12 : memref<!tpu.dma_semaphore, #tpu.memory_space<semaphore_mem>>)
      %scan3A_35 = arith.constant 0 : i32
      %scan3A_36 = arith.constant 0 : i32
      %scan3A_37 = arith.constant 20 : i32
      %scan3A_38 = arith.addi %scan3A_36, %scan3A_37 : i32
      %scan3A_39 = arith.constant 1 : i32
      %scan3A_40 = scf.for %scan3A_43 = %scan3A_36 to %scan3A_38 step %scan3A_39 iter_args(%scan3A_44 = %scan3A_35) -> (i32)  : i32 {
        %mul3A_45 = arith.constant 2 : i32
        %mul3A_46 = arith.muli %scan3A_43, %mul3A_45 : i32
        %add3A_47 = arith.constant 0 : i32
        %add3A_48 = arith.addi %mul3A_46, %add3A_47 : i32
        %dma_wait3A = arith.constant 0 : i32
        %dma_wait3A_49 = arith.constant 0 : i32
        %dma_wait3A_50 = tpu.memref_slice %arg6[%dma_wait3A, %dma_wait3A_49] : memref<40x128xi32, #tpu.memory_space<vmem>> -> memref<1x128xi32, #tpu.memory_space<vmem>>
        %dma_wait3A_51 = tpu.memref_squeeze %dma_wait3A_50 : memref<1x128xi32, #tpu.memory_space<vmem>> -> memref<128xi32, #tpu.memory_space<vmem>>
        %dma_wait3A_52 = arith.constant 0 : i32
        %dma_wait3A_53 = arith.constant 0 : i32
        %dma_wait3A_54 = tpu.memref_slice %arg2[%dma_wait3A_52, %dma_wait3A_53] : memref<20480x128xf32, #tpu.memory_space<hbm>> -> memref<20480x128xf32, #tpu.memory_space<hbm>>
        tpu.wait_indirect_dma semaphore(%arg11 : memref<!tpu.dma_semaphore, #tpu.memory_space<semaphore_mem>>) src(%dma_wait3A_54 : memref<20480x128xf32, #tpu.memory_space<hbm>>) dst(%arg8 : memref<128x128xf32, #tpu.memory_space<vmem>>)
        "tpu.region"() ({
          %run_scoped3A = tpu.sem_alloc : memref<!tpu.dma_semaphore, #tpu.memory_space<semaphore_mem>>
          %dma_start3A_78 = arith.constant 0 : i32
          %dma_start3A_79 = tpu.memref_slice %arg7[%add3A_48, %dma_start3A_78] : memref<40x128xi32, #tpu.memory_space<vmem>> -> memref<1x128xi32, #tpu.memory_space<vmem>>
          %dma_start3A_80 = tpu.memref_squeeze %dma_start3A_79 : memref<1x128xi32, #tpu.memory_space<vmem>> -> memref<128xi32, #tpu.memory_space<vmem>>
          %dma_start3A_81 = arith.constant 0 : i32
          %dma_start3A_82 = arith.constant 0 : i32
          %dma_start3A_83 = tpu.memref_slice %arg10[%dma_start3A_81, %dma_start3A_82] : memref<10240x128xf32, #tpu.memory_space<vmem_shared>> -> memref<10240x128xf32, #tpu.memory_space<vmem_shared>>
          tpu.enqueue_indirect_dma source(%arg8 : memref<128x128xf32, #tpu.memory_space<vmem>>) target(%dma_start3A_83 : memref<10240x128xf32, #tpu.memory_space<vmem_shared>>) offsets(%dma_start3A_80 : memref<128xi32, #tpu.memory_space<vmem>>) semaphore(%run_scoped3A : memref<!tpu.dma_semaphore, #tpu.memory_space<semaphore_mem>>) {add = true}
          %dma_wait3A_84 = arith.constant 0 : i32
          %dma_wait3A_85 = tpu.memref_slice %arg7[%add3A_48, %dma_wait3A_84] : memref<40x128xi32, #tpu.memory_space<vmem>> -> memref<1x128xi32, #tpu.memory_space<vmem>>
          %dma_wait3A_86 = tpu.memref_squeeze %dma_wait3A_85 : memref<1x128xi32, #tpu.memory_space<vmem>> -> memref<128xi32, #tpu.memory_space<vmem>>
          %dma_wait3A_87 = arith.constant 0 : i32
          %dma_wait3A_88 = arith.constant 0 : i32
          %dma_wait3A_89 = tpu.memref_slice %arg10[%dma_wait3A_87, %dma_wait3A_88] : memref<10240x128xf32, #tpu.memory_space<vmem_shared>> -> memref<10240x128xf32, #tpu.memory_space<vmem_shared>>
          tpu.wait_indirect_dma semaphore(%run_scoped3A : memref<!tpu.dma_semaphore, #tpu.memory_space<semaphore_mem>>) src(%arg8 : memref<128x128xf32, #tpu.memory_space<vmem>>) dst(%dma_wait3A_89 : memref<10240x128xf32, #tpu.memory_space<vmem_shared>>)
          tpu.yield
        }) : () -> ()
        %add3A_55 = arith.constant 2 : i32
        %add3A_56 = arith.addi %add3A_48, %add3A_55 : i32
        %lt3A = arith.constant 40 : i32
        %lt3A_57 = arith.cmpi slt, %add3A_56, %lt3A : i32
        %convert_element_type3A = arith.extui %lt3A_57 : i1 to i32
        %cond3A = arith.constant 0 : i32
        %cond3A_58 = arith.cmpi ne, %convert_element_type3A, %cond3A : i32
        scf.if %cond3A_58 {
          %add3A_78 = arith.constant 2 : i32
          %add3A_79 = arith.addi %add3A_48, %add3A_78 : i32
          %dma_start3A_80 = arith.constant 0 : i32
          %dma_start3A_81 = tpu.memref_slice %arg6[%add3A_79, %dma_start3A_80] : memref<40x128xi32, #tpu.memory_space<vmem>> -> memref<1x128xi32, #tpu.memory_space<vmem>>
          %dma_start3A_82 = tpu.memref_squeeze %dma_start3A_81 : memref<1x128xi32, #tpu.memory_space<vmem>> -> memref<128xi32, #tpu.memory_space<vmem>>
          %dma_start3A_83 = arith.constant 0 : i32
          %dma_start3A_84 = arith.constant 0 : i32
          %dma_start3A_85 = tpu.memref_slice %arg2[%dma_start3A_83, %dma_start3A_84] : memref<20480x128xf32, #tpu.memory_space<hbm>> -> memref<20480x128xf32, #tpu.memory_space<hbm>>
          tpu.enqueue_indirect_dma source(%dma_start3A_85 : memref<20480x128xf32, #tpu.memory_space<hbm>>) target(%arg8 : memref<128x128xf32, #tpu.memory_space<vmem>>) offsets(%dma_start3A_82 : memref<128xi32, #tpu.memory_space<vmem>>) semaphore(%arg11 : memref<!tpu.dma_semaphore, #tpu.memory_space<semaphore_mem>>)
        } else {
        }
        %mul3A_59 = arith.constant 2 : i32
        %mul3A_60 = arith.muli %scan3A_43, %mul3A_59 : i32
        %add3A_61 = arith.constant 1 : i32
        %add3A_62 = arith.addi %mul3A_60, %add3A_61 : i32
        %dma_wait3A_63 = arith.constant 0 : i32
        %dma_wait3A_64 = arith.constant 0 : i32
        %dma_wait3A_65 = tpu.memref_slice %arg6[%dma_wait3A_63, %dma_wait3A_64] : memref<40x128xi32, #tpu.memory_space<vmem>> -> memref<1x128xi32, #tpu.memory_space<vmem>>
        %dma_wait3A_66 = tpu.memref_squeeze %dma_wait3A_65 : memref<1x128xi32, #tpu.memory_space<vmem>> -> memref<128xi32, #tpu.memory_space<vmem>>
        %dma_wait3A_67 = arith.constant 0 : i32
        %dma_wait3A_68 = arith.constant 0 : i32
        %dma_wait3A_69 = tpu.memref_slice %arg2[%dma_wait3A_67, %dma_wait3A_68] : memref<20480x128xf32, #tpu.memory_space<hbm>> -> memref<20480x128xf32, #tpu.memory_space<hbm>>
        tpu.wait_indirect_dma semaphore(%arg12 : memref<!tpu.dma_semaphore, #tpu.memory_space<semaphore_mem>>) src(%dma_wait3A_69 : memref<20480x128xf32, #tpu.memory_space<hbm>>) dst(%arg9 : memref<128x128xf32, #tpu.memory_space<vmem>>)
        "tpu.region"() ({
          %run_scoped3A = tpu.sem_alloc : memref<!tpu.dma_semaphore, #tpu.memory_space<semaphore_mem>>
          %dma_start3A_78 = arith.constant 0 : i32
          %dma_start3A_79 = tpu.memref_slice %arg7[%add3A_62, %dma_start3A_78] : memref<40x128xi32, #tpu.memory_space<vmem>> -> memref<1x128xi32, #tpu.memory_space<vmem>>
          %dma_start3A_80 = tpu.memref_squeeze %dma_start3A_79 : memref<1x128xi32, #tpu.memory_space<vmem>> -> memref<128xi32, #tpu.memory_space<vmem>>
          %dma_start3A_81 = arith.constant 0 : i32
          %dma_start3A_82 = arith.constant 0 : i32
          %dma_start3A_83 = tpu.memref_slice %arg10[%dma_start3A_81, %dma_start3A_82] : memref<10240x128xf32, #tpu.memory_space<vmem_shared>> -> memref<10240x128xf32, #tpu.memory_space<vmem_shared>>
          tpu.enqueue_indirect_dma source(%arg9 : memref<128x128xf32, #tpu.memory_space<vmem>>) target(%dma_start3A_83 : memref<10240x128xf32, #tpu.memory_space<vmem_shared>>) offsets(%dma_start3A_80 : memref<128xi32, #tpu.memory_space<vmem>>) semaphore(%run_scoped3A : memref<!tpu.dma_semaphore, #tpu.memory_space<semaphore_mem>>) {add = true}
          %dma_wait3A_84 = arith.constant 0 : i32
          %dma_wait3A_85 = tpu.memref_slice %arg7[%add3A_62, %dma_wait3A_84] : memref<40x128xi32, #tpu.memory_space<vmem>> -> memref<1x128xi32, #tpu.memory_space<vmem>>
          %dma_wait3A_86 = tpu.memref_squeeze %dma_wait3A_85 : memref<1x128xi32, #tpu.memory_space<vmem>> -> memref<128xi32, #tpu.memory_space<vmem>>
          %dma_wait3A_87 = arith.constant 0 : i32
          %dma_wait3A_88 = arith.constant 0 : i32
          %dma_wait3A_89 = tpu.memref_slice %arg10[%dma_wait3A_87, %dma_wait3A_88] : memref<10240x128xf32, #tpu.memory_space<vmem_shared>> -> memref<10240x128xf32, #tpu.memory_space<vmem_shared>>
          tpu.wait_indirect_dma semaphore(%run_scoped3A : memref<!tpu.dma_semaphore, #tpu.memory_space<semaphore_mem>>) src(%arg9 : memref<128x128xf32, #tpu.memory_space<vmem>>) dst(%dma_wait3A_89 : memref<10240x128xf32, #tpu.memory_space<vmem_shared>>)
          tpu.yield
        }) : () -> ()
        %add3A_70 = arith.constant 2 : i32
        %add3A_71 = arith.addi %add3A_62, %add3A_70 : i32
        %lt3A_72 = arith.constant 40 : i32
        %lt3A_73 = arith.cmpi slt, %add3A_71, %lt3A_72 : i32
        %convert_element_type3A_74 = arith.extui %lt3A_73 : i1 to i32
        %cond3A_75 = arith.constant 0 : i32
        %cond3A_76 = arith.cmpi ne, %convert_element_type3A_74, %cond3A_75 : i32
        scf.if %cond3A_76 {
          %add3A_78 = arith.constant 2 : i32
          %add3A_79 = arith.addi %add3A_62, %add3A_78 : i32
          %dma_start3A_80 = arith.constant 0 : i32
          %dma_start3A_81 = tpu.memref_slice %arg6[%add3A_79, %dma_start3A_80] : memref<40x128xi32, #tpu.memory_space<vmem>> -> memref<1x128xi32, #tpu.memory_space<vmem>>
          %dma_start3A_82 = tpu.memref_squeeze %dma_start3A_81 : memref<1x128xi32, #tpu.memory_space<vmem>> -> memref<128xi32, #tpu.memory_space<vmem>>
          %dma_start3A_83 = arith.constant 0 : i32
          %dma_start3A_84 = arith.constant 0 : i32
          %dma_start3A_85 = tpu.memref_slice %arg2[%dma_start3A_83, %dma_start3A_84] : memref<20480x128xf32, #tpu.memory_space<hbm>> -> memref<20480x128xf32, #tpu.memory_space<hbm>>
          tpu.enqueue_indirect_dma source(%dma_start3A_85 : memref<20480x128xf32, #tpu.memory_space<hbm>>) target(%arg9 : memref<128x128xf32, #tpu.memory_space<vmem>>) offsets(%dma_start3A_82 : memref<128xi32, #tpu.memory_space<vmem>>) semaphore(%arg12 : memref<!tpu.dma_semaphore, #tpu.memory_space<semaphore_mem>>)
        } else {
        }
        %scan3A_77 = arith.constant 0 : i32
        scf.yield %scan3A_77 : i32
      }
      %scan3A_41 = arith.constant 20 : i32
      %scan3A_42 = arith.constant 0 : i32
      scf.yield %scan3A_42 : i32
    }
    %scan3A_10 = arith.constant 4 : i32
    %barrier3A_11 = arith.constant 0 : index
    tpu.barrier barrier_id(%barrier3A_11)
    %mul3A_12 = arith.constant 640 : i32
    %mul3A_13 = arith.muli %arg1, %mul3A_12 : i32
    %mul3A_14 = arith.constant 640 : i32
    %mul3A_15 = arith.muli %arg1, %mul3A_14 : i32
    "tpu.region"() ({
      %run_scoped3A = tpu.sem_alloc : memref<!tpu.dma_semaphore, #tpu.memory_space<semaphore_mem>>
      %dma_start3A = arith.constant 0 : i32
      %dma_start3A_16 = tpu.memref_slice %arg5[%arg0, %mul3A_15, %dma_start3A] : memref<2x10240x128xf32, #tpu.memory_space<hbm>> -> memref<1x640x128xf32, #tpu.memory_space<hbm>>
      %dma_start3A_17 = tpu.memref_squeeze %dma_start3A_16 : memref<1x640x128xf32, #tpu.memory_space<hbm>> -> memref<640x128xf32, #tpu.memory_space<hbm>>
      %dma_start3A_18 = arith.constant 0 : i32
      %dma_start3A_19 = tpu.memref_slice %arg10[%mul3A_13, %dma_start3A_18] : memref<10240x128xf32, #tpu.memory_space<vmem_shared>> -> memref<640x128xf32, #tpu.memory_space<vmem_shared>>
      tpu.enqueue_dma source(%dma_start3A_19 : memref<640x128xf32, #tpu.memory_space<vmem_shared>>) target(%dma_start3A_17 : memref<640x128xf32, #tpu.memory_space<hbm>>) target_semaphore(%run_scoped3A : memref<!tpu.dma_semaphore, #tpu.memory_space<semaphore_mem>>)
      %dma_wait3A = arith.constant 0 : i32
      %dma_wait3A_20 = tpu.memref_slice %arg5[%arg0, %mul3A_15, %dma_wait3A] : memref<2x10240x128xf32, #tpu.memory_space<hbm>> -> memref<1x640x128xf32, #tpu.memory_space<hbm>>
      %dma_wait3A_21 = tpu.memref_squeeze %dma_wait3A_20 : memref<1x640x128xf32, #tpu.memory_space<hbm>> -> memref<640x128xf32, #tpu.memory_space<hbm>>
      %dma_wait3A_22 = arith.constant 0 : i32
      %dma_wait3A_23 = tpu.memref_slice %arg10[%mul3A_13, %dma_wait3A_22] : memref<10240x128xf32, #tpu.memory_space<vmem_shared>> -> memref<640x128xf32, #tpu.memory_space<vmem_shared>>
      tpu.wait_dma2 semaphore(%run_scoped3A : memref<!tpu.dma_semaphore, #tpu.memory_space<semaphore_mem>>) src(%dma_wait3A_23 : memref<640x128xf32, #tpu.memory_space<vmem_shared>>) dst(%dma_wait3A_21 : memref<640x128xf32, #tpu.memory_space<hbm>>)
      tpu.yield
    }) : () -> ()
    return
  }
}

module attributes {stable_mosaic.version = 14 : i64} {
  func.func @_prep_body(%arg0: i32, %arg1: memref<2x512x128xf32, #tpu.memory_space<vmem>>, %arg2: memref<512x128xf32, #tpu.memory_space<vmem>>, %arg3: memref<2x512x128xf32, #tpu.memory_space<vmem>>) attributes {dimension_semantics = [#tpu.dimension_semantics<arbitrary>], iteration_bounds = array<i64: 20>, scalar_prefetch = 0 : i64, scratch_operands = 0 : i64, tpu.core_type = #tpu.core_type<tc>, window_params = [{transform_indices = @transform_0, window_bounds = array<i64: 2, 512, 128>}, {transform_indices = @transform_1, window_bounds = array<i64: 512, 128>}, {transform_indices = @transform_2, window_bounds = array<i64: 2, 512, 128>}]} {
    %get3A = arith.constant 0 : index
    %get3A_0 = arith.constant 0 : index
    %get3A_1 = arith.constant 0 : index
    %get3A_2 = vector.load %arg1[%get3A, %get3A_0, %get3A_1] : memref<2x512x128xf32, #tpu.memory_space<vmem>>, vector<2x512x128xf32>
    %slice3A = vector.extract_strided_slice %get3A_2 {offsets = [0, 0, 0], sizes = [1, 512, 1], strides = [1, 1, 1]} : vector<2x512x128xf32> to vector<1x512x1xf32>
    %squeeze3A = vector.shape_cast %slice3A : vector<1x512x1xf32> to vector<512x1xf32>
    %slice3A_3 = vector.extract_strided_slice %get3A_2 {offsets = [1, 0, 0], sizes = [1, 512, 1], strides = [1, 1, 1]} : vector<2x512x128xf32> to vector<1x512x1xf32>
    %squeeze3A_4 = vector.shape_cast %slice3A_3 : vector<1x512x1xf32> to vector<512x1xf32>
    %add3A = arith.addf %squeeze3A, %squeeze3A_4 : vector<512x1xf32>
    %add3A_5 = arith.constant 1.000000e+00 : f32
    %add3A_6 = vector.broadcast %add3A_5 : f32 to vector<512x1xf32>
    %add3A_7 = arith.addf %add3A, %add3A_6 : vector<512x1xf32>
    %rsqrt3A = math.rsqrt %add3A_7 : vector<512x1xf32>
    %get3A_8 = arith.constant 0 : index
    %get3A_9 = arith.constant 0 : index
    %get3A_10 = vector.load %arg2[%get3A_8, %get3A_9] : memref<512x128xf32, #tpu.memory_space<vmem>>, vector<512x128xf32>
    %mul3A = vector.broadcast %rsqrt3A : vector<512x1xf32> to vector<512x128xf32>
    %mul3A_11 = arith.mulf %get3A_10, %mul3A : vector<512x128xf32>
    %swap3A = arith.constant 0 : index
    %swap3A_12 = arith.constant 0 : index
    %swap3A_13 = arith.constant 0 : index
    %swap3A_14 = vector.load %arg3[%swap3A, %swap3A_12, %swap3A_13] : memref<2x512x128xf32, #tpu.memory_space<vmem>>, vector<1x512x128xf32>
    %swap3A_15 = vector.shape_cast %swap3A_14 : vector<1x512x128xf32> to vector<512x128xf32>
    %swap3A_16 = vector.shape_cast %mul3A_11 : vector<512x128xf32> to vector<1x512x128xf32>
    tpu.vector_store %arg3[%swap3A, %swap3A_12, %swap3A_13], %swap3A_16 {strides = array<i32>} : memref<2x512x128xf32, #tpu.memory_space<vmem>>, vector<1x512x128xf32>,
    %broadcast_in_dim3A = arith.constant 0.000000e+00 : f32
    %broadcast_in_dim3A_17 = vector.broadcast %broadcast_in_dim3A : f32 to vector<512x128xf32>
    %swap3A_18 = arith.constant 1 : index
    %swap3A_19 = arith.constant 0 : index
    %swap3A_20 = arith.constant 0 : index
    %swap3A_21 = vector.load %arg3[%swap3A_18, %swap3A_19, %swap3A_20] : memref<2x512x128xf32, #tpu.memory_space<vmem>>, vector<1x512x128xf32>
    %swap3A_22 = vector.shape_cast %swap3A_21 : vector<1x512x128xf32> to vector<512x128xf32>
    %swap3A_23 = vector.shape_cast %broadcast_in_dim3A_17 : vector<512x128xf32> to vector<1x512x128xf32>
    tpu.vector_store %arg3[%swap3A_18, %swap3A_19, %swap3A_20], %swap3A_23 {strides = array<i32>} : memref<2x512x128xf32, #tpu.memory_space<vmem>>, vector<1x512x128xf32>,
    return
  }
  func.func @transform_0(%arg0: i32) -> (i32, i32, i32) {
    %c0_i32 = arith.constant 0 : i32
    %c0_i32_0 = arith.constant 0 : i32
    %c0_i32_1 = arith.constant 0 : i32
    return %c0_i32, %arg0, %c0_i32_0 : i32, i32, i32
  }
  func.func @transform_1(%arg0: i32) -> (i32, i32) {
    %c0_i32 = arith.constant 0 : i32
    %c0_i32_0 = arith.constant 0 : i32
    return %arg0, %c0_i32 : i32, i32
  }
  func.func @transform_2(%arg0: i32) -> (i32, i32, i32) {
    %c0_i32 = arith.constant 0 : i32
    %c0_i32_0 = arith.constant 0 : i32
    %c0_i32_1 = arith.constant 0 : i32
    return %c0_i32, %arg0, %c0_i32_0 : i32, i32, i32
  }
}

module attributes {stable_mosaic.version = 14 : i64} {
  func.func @_layer_body(%arg0: i32, %arg1: memref<2x512x128xf32, #tpu.memory_space<vmem>>, %arg2: memref<2x512x128xf32, #tpu.memory_space<vmem>>, %arg3: memref<128x256xf32, #tpu.memory_space<vmem>>, %arg4: memref<1x256xf32, #tpu.memory_space<vmem>>, %arg5: memref<2x512x128xf32, #tpu.memory_space<vmem>>) attributes {dimension_semantics = [#tpu.dimension_semantics<arbitrary>], iteration_bounds = array<i64: 20>, scalar_prefetch = 0 : i64, scratch_operands = 0 : i64, tpu.core_type = #tpu.core_type<tc>, window_params = [{transform_indices = @transform_0, window_bounds = array<i64: 2, 512, 128>}, {transform_indices = @transform_1, window_bounds = array<i64: 2, 512, 128>}, {pipeline_mode = #tpu.pipeline_mode<synchronous>, transform_indices = @transform_2, window_bounds = array<i64: 128, 256>}, {pipeline_mode = #tpu.pipeline_mode<synchronous>, transform_indices = @transform_3, window_bounds = array<i64: 1, 256>}, {transform_indices = @transform_4, window_bounds = array<i64: 2, 512, 128>}]} {
    %get3A = arith.constant 0 : index
    %get3A_0 = arith.constant 0 : index
    %get3A_1 = arith.constant 0 : index
    %get3A_2 = vector.load %arg2[%get3A, %get3A_0, %get3A_1] : memref<2x512x128xf32, #tpu.memory_space<vmem>>, vector<2x512x128xf32>
    %slice3A = vector.extract_strided_slice %get3A_2 {offsets = [0, 0, 0], sizes = [1, 512, 1], strides = [1, 1, 1]} : vector<2x512x128xf32> to vector<1x512x1xf32>
    %squeeze3A = vector.shape_cast %slice3A : vector<1x512x1xf32> to vector<512x1xf32>
    %slice3A_3 = vector.extract_strided_slice %get3A_2 {offsets = [1, 0, 0], sizes = [1, 512, 1], strides = [1, 1, 1]} : vector<2x512x128xf32> to vector<1x512x1xf32>
    %squeeze3A_4 = vector.shape_cast %slice3A_3 : vector<1x512x1xf32> to vector<512x1xf32>
    %add3A = arith.addf %squeeze3A, %squeeze3A_4 : vector<512x1xf32>
    %add3A_5 = arith.constant 1.000000e+00 : f32
    %add3A_6 = vector.broadcast %add3A_5 : f32 to vector<512x1xf32>
    %add3A_7 = arith.addf %add3A, %add3A_6 : vector<512x1xf32>
    %rsqrt3A = math.rsqrt %add3A_7 : vector<512x1xf32>
    %get3A_8 = arith.constant 0 : index
    %get3A_9 = arith.constant 0 : index
    %get3A_10 = arith.constant 0 : index
    %get3A_11 = vector.load %arg1[%get3A_8, %get3A_9, %get3A_10] : memref<2x512x128xf32, #tpu.memory_space<vmem>>, vector<1x512x128xf32>
    %get3A_12 = vector.shape_cast %get3A_11 : vector<1x512x128xf32> to vector<512x128xf32>
    %get3A_13 = arith.constant 1 : index
    %get3A_14 = arith.constant 0 : index
    %get3A_15 = arith.constant 0 : index
    %get3A_16 = vector.load %arg1[%get3A_13, %get3A_14, %get3A_15] : memref<2x512x128xf32, #tpu.memory_space<vmem>>, vector<1x512x128xf32>
    %get3A_17 = vector.shape_cast %get3A_16 : vector<1x512x128xf32> to vector<512x128xf32>
    %add3A_18 = arith.addf %get3A_12, %get3A_17 : vector<512x128xf32>
    %mul3A = vector.broadcast %rsqrt3A : vector<512x1xf32> to vector<512x128xf32>
    %mul3A_19 = arith.mulf %add3A_18, %mul3A : vector<512x128xf32>
    %get3A_20 = arith.constant 0 : index
    %get3A_21 = arith.constant 0 : index
    %get3A_22 = vector.load %arg3[%get3A_20, %get3A_21] : memref<128x256xf32, #tpu.memory_space<vmem>>, vector<128x256xf32>
    %dot_general3A = arith.constant dense<0.000000e+00> : vector<512x256xf32>
    %dot_general3A_23 = tpu.matmul %mul3A_19, %get3A_22, %dot_general3A {dimension_numbers = #tpu.dot_dimension_numbers<[1], [0], [0], [1], [0, 0, 1, 1], [], []>, transpose_lhs_hint = false} : vector<512x128xf32>, vector<128x256xf32>, vector<512x256xf32> -> vector<512x256xf32>
    %get3A_24 = arith.constant 0 : index
    %get3A_25 = arith.constant 0 : index
    %get3A_26 = vector.load %arg4[%get3A_24, %get3A_25] : memref<1x256xf32, #tpu.memory_space<vmem>>, vector<1x256xf32>
    %add3A_27 = vector.broadcast %get3A_26 : vector<1x256xf32> to vector<512x256xf32>
    %add3A_28 = arith.addf %dot_general3A_23, %add3A_27 : vector<512x256xf32>
    %max3A = arith.constant 0.000000e+00 : f32
    %max3A_29 = vector.broadcast %max3A : f32 to vector<512x256xf32>
    %max3A_30 = arith.maximumf %add3A_28, %max3A_29 : vector<512x256xf32>
    %mul3A_31 = vector.broadcast %rsqrt3A : vector<512x1xf32> to vector<512x256xf32>
    %mul3A_32 = arith.mulf %max3A_30, %mul3A_31 : vector<512x256xf32>
    %slice3A_33 = vector.extract_strided_slice %mul3A_32 {offsets = [0, 0], sizes = [512, 128], strides = [1, 1]} : vector<512x256xf32> to vector<512x128xf32>
    %swap3A = arith.constant 0 : index
    %swap3A_34 = arith.constant 0 : index
    %swap3A_35 = arith.constant 0 : index
    %swap3A_36 = vector.load %arg5[%swap3A, %swap3A_34, %swap3A_35] : memref<2x512x128xf32, #tpu.memory_space<vmem>>, vector<1x512x128xf32>
    %swap3A_37 = vector.shape_cast %swap3A_36 : vector<1x512x128xf32> to vector<512x128xf32>
    %swap3A_38 = vector.shape_cast %slice3A_33 : vector<512x128xf32> to vector<1x512x128xf32>
    tpu.vector_store %arg5[%swap3A, %swap3A_34, %swap3A_35], %swap3A_38 {strides = array<i32>} : memref<2x512x128xf32, #tpu.memory_space<vmem>>, vector<1x512x128xf32>,
    %slice3A_39 = vector.extract_strided_slice %mul3A_32 {offsets = [0, 128], sizes = [512, 128], strides = [1, 1]} : vector<512x256xf32> to vector<512x128xf32>
    %swap3A_40 = arith.constant 1 : index
    %swap3A_41 = arith.constant 0 : index
    %swap3A_42 = arith.constant 0 : index
    %swap3A_43 = vector.load %arg5[%swap3A_40, %swap3A_41, %swap3A_42] : memref<2x512x128xf32, #tpu.memory_space<vmem>>, vector<1x512x128xf32>
    %swap3A_44 = vector.shape_cast %swap3A_43 : vector<1x512x128xf32> to vector<512x128xf32>
    %swap3A_45 = vector.shape_cast %slice3A_39 : vector<512x128xf32> to vector<1x512x128xf32>
    tpu.vector_store %arg5[%swap3A_40, %swap3A_41, %swap3A_42], %swap3A_45 {strides = array<i32>} : memref<2x512x128xf32, #tpu.memory_space<vmem>>, vector<1x512x128xf32>,
    return
  }
  func.func @transform_0(%arg0: i32) -> (i32, i32, i32) {
    %c0_i32 = arith.constant 0 : i32
    %c0_i32_0 = arith.constant 0 : i32
    %c0_i32_1 = arith.constant 0 : i32
    return %c0_i32, %arg0, %c0_i32_0 : i32, i32, i32
  }
  func.func @transform_1(%arg0: i32) -> (i32, i32, i32) {
    %c0_i32 = arith.constant 0 : i32
    %c0_i32_0 = arith.constant 0 : i32
    %c0_i32_1 = arith.constant 0 : i32
    return %c0_i32, %arg0, %c0_i32_0 : i32, i32, i32
  }
  func.func @transform_2(%arg0: i32) -> (i32, i32) {
    %c0_i32 = arith.constant 0 : i32
    %c0_i32_0 = arith.constant 0 : i32
    %c0_i32_1 = arith.constant 0 : i32
    return %c0_i32, %c0_i32_0 : i32, i32
  }
  func.func @transform_3(%arg0: i32) -> (i32, i32) {
    %c0_i32 = arith.constant 0 : i32
    %c0_i32_0 = arith.constant 0 : i32
    %c0_i32_1 = arith.constant 0 : i32
    return %c0_i32, %c0_i32_0 : i32, i32
  }
  func.func @transform_4(%arg0: i32) -> (i32, i32, i32) {
    %c0_i32 = arith.constant 0 : i32
    %c0_i32_0 = arith.constant 0 : i32
    %c0_i32_1 = arith.constant 0 : i32
    return %c0_i32, %arg0, %c0_i32_0 : i32, i32, i32
  }
}

module attributes {stable_mosaic.version = 14 : i64} {
  func.func @_layer_body(%arg0: i32, %arg1: memref<2x512x128xf32, #tpu.memory_space<vmem>>, %arg2: memref<2x512x128xf32, #tpu.memory_space<vmem>>, %arg3: memref<256x256xf32, #tpu.memory_space<vmem>>, %arg4: memref<1x256xf32, #tpu.memory_space<vmem>>, %arg5: memref<2x512x128xf32, #tpu.memory_space<vmem>>) attributes {dimension_semantics = [#tpu.dimension_semantics<arbitrary>], iteration_bounds = array<i64: 20>, scalar_prefetch = 0 : i64, scratch_operands = 0 : i64, tpu.core_type = #tpu.core_type<tc>, window_params = [{transform_indices = @transform_0, window_bounds = array<i64: 2, 512, 128>}, {transform_indices = @transform_1, window_bounds = array<i64: 2, 512, 128>}, {pipeline_mode = #tpu.pipeline_mode<synchronous>, transform_indices = @transform_2, window_bounds = array<i64: 256, 256>}, {pipeline_mode = #tpu.pipeline_mode<synchronous>, transform_indices = @transform_3, window_bounds = array<i64: 1, 256>}, {transform_indices = @transform_4, window_bounds = array<i64: 2, 512, 128>}]} {
    %get3A = arith.constant 0 : index
    %get3A_0 = arith.constant 0 : index
    %get3A_1 = arith.constant 0 : index
    %get3A_2 = vector.load %arg2[%get3A, %get3A_0, %get3A_1] : memref<2x512x128xf32, #tpu.memory_space<vmem>>, vector<2x512x128xf32>
    %slice3A = vector.extract_strided_slice %get3A_2 {offsets = [0, 0, 0], sizes = [1, 512, 1], strides = [1, 1, 1]} : vector<2x512x128xf32> to vector<1x512x1xf32>
    %squeeze3A = vector.shape_cast %slice3A : vector<1x512x1xf32> to vector<512x1xf32>
    %slice3A_3 = vector.extract_strided_slice %get3A_2 {offsets = [1, 0, 0], sizes = [1, 512, 1], strides = [1, 1, 1]} : vector<2x512x128xf32> to vector<1x512x1xf32>
    %squeeze3A_4 = vector.shape_cast %slice3A_3 : vector<1x512x1xf32> to vector<512x1xf32>
    %add3A = arith.addf %squeeze3A, %squeeze3A_4 : vector<512x1xf32>
    %add3A_5 = arith.constant 1.000000e+00 : f32
    %add3A_6 = vector.broadcast %add3A_5 : f32 to vector<512x1xf32>
    %add3A_7 = arith.addf %add3A, %add3A_6 : vector<512x1xf32>
    %rsqrt3A = math.rsqrt %add3A_7 : vector<512x1xf32>
    %get3A_8 = arith.constant 0 : index
    %get3A_9 = arith.constant 0 : index
    %get3A_10 = arith.constant 0 : index
    %get3A_11 = vector.load %arg1[%get3A_8, %get3A_9, %get3A_10] : memref<2x512x128xf32, #tpu.memory_space<vmem>>, vector<1x512x128xf32>
    %get3A_12 = vector.shape_cast %get3A_11 : vector<1x512x128xf32> to vector<512x128xf32>
    %get3A_13 = arith.constant 1 : index
    %get3A_14 = arith.constant 0 : index
    %get3A_15 = arith.constant 0 : index
    %get3A_16 = vector.load %arg1[%get3A_13, %get3A_14, %get3A_15] : memref<2x512x128xf32, #tpu.memory_space<vmem>>, vector<1x512x128xf32>
    %get3A_17 = vector.shape_cast %get3A_16 : vector<1x512x128xf32> to vector<512x128xf32>
    %concatenate3A = tpu.concatenate %get3A_12, %get3A_17 in 1 : vector<512x128xf32>, vector<512x128xf32> -> vector<512x256xf32>
    %mul3A = vector.broadcast %rsqrt3A : vector<512x1xf32> to vector<512x256xf32>
    %mul3A_18 = arith.mulf %concatenate3A, %mul3A : vector<512x256xf32>
    %get3A_19 = arith.constant 0 : index
    %get3A_20 = arith.constant 0 : index
    %get3A_21 = vector.load %arg3[%get3A_19, %get3A_20] : memref<256x256xf32, #tpu.memory_space<vmem>>, vector<256x256xf32>
    %dot_general3A = arith.constant dense<0.000000e+00> : vector<512x256xf32>
    %dot_general3A_22 = tpu.matmul %mul3A_18, %get3A_21, %dot_general3A {dimension_numbers = #tpu.dot_dimension_numbers<[1], [0], [0], [1], [0, 0, 1, 1], [], []>, transpose_lhs_hint = false} : vector<512x256xf32>, vector<256x256xf32>, vector<512x256xf32> -> vector<512x256xf32>
    %get3A_23 = arith.constant 0 : index
    %get3A_24 = arith.constant 0 : index
    %get3A_25 = vector.load %arg4[%get3A_23, %get3A_24] : memref<1x256xf32, #tpu.memory_space<vmem>>, vector<1x256xf32>
    %add3A_26 = vector.broadcast %get3A_25 : vector<1x256xf32> to vector<512x256xf32>
    %add3A_27 = arith.addf %dot_general3A_22, %add3A_26 : vector<512x256xf32>
    %max3A = arith.constant 0.000000e+00 : f32
    %max3A_28 = vector.broadcast %max3A : f32 to vector<512x256xf32>
    %max3A_29 = arith.maximumf %add3A_27, %max3A_28 : vector<512x256xf32>
    %mul3A_30 = vector.broadcast %rsqrt3A : vector<512x1xf32> to vector<512x256xf32>
    %mul3A_31 = arith.mulf %max3A_29, %mul3A_30 : vector<512x256xf32>
    %slice3A_32 = vector.extract_strided_slice %mul3A_31 {offsets = [0, 0], sizes = [512, 128], strides = [1, 1]} : vector<512x256xf32> to vector<512x128xf32>
    %swap3A = arith.constant 0 : index
    %swap3A_33 = arith.constant 0 : index
    %swap3A_34 = arith.constant 0 : index
    %swap3A_35 = vector.load %arg5[%swap3A, %swap3A_33, %swap3A_34] : memref<2x512x128xf32, #tpu.memory_space<vmem>>, vector<1x512x128xf32>
    %swap3A_36 = vector.shape_cast %swap3A_35 : vector<1x512x128xf32> to vector<512x128xf32>
    %swap3A_37 = vector.shape_cast %slice3A_32 : vector<512x128xf32> to vector<1x512x128xf32>
    tpu.vector_store %arg5[%swap3A, %swap3A_33, %swap3A_34], %swap3A_37 {strides = array<i32>} : memref<2x512x128xf32, #tpu.memory_space<vmem>>, vector<1x512x128xf32>,
    %slice3A_38 = vector.extract_strided_slice %mul3A_31 {offsets = [0, 128], sizes = [512, 128], strides = [1, 1]} : vector<512x256xf32> to vector<512x128xf32>
    %swap3A_39 = arith.constant 1 : index
    %swap3A_40 = arith.constant 0 : index
    %swap3A_41 = arith.constant 0 : index
    %swap3A_42 = vector.load %arg5[%swap3A_39, %swap3A_40, %swap3A_41] : memref<2x512x128xf32, #tpu.memory_space<vmem>>, vector<1x512x128xf32>
    %swap3A_43 = vector.shape_cast %swap3A_42 : vector<1x512x128xf32> to vector<512x128xf32>
    %swap3A_44 = vector.shape_cast %slice3A_38 : vector<512x128xf32> to vector<1x512x128xf32>
    tpu.vector_store %arg5[%swap3A_39, %swap3A_40, %swap3A_41], %swap3A_44 {strides = array<i32>} : memref<2x512x128xf32, #tpu.memory_space<vmem>>, vector<1x512x128xf32>,
    return
  }
  func.func @transform_0(%arg0: i32) -> (i32, i32, i32) {
    %c0_i32 = arith.constant 0 : i32
    %c0_i32_0 = arith.constant 0 : i32
    %c0_i32_1 = arith.constant 0 : i32
    return %c0_i32, %arg0, %c0_i32_0 : i32, i32, i32
  }
  func.func @transform_1(%arg0: i32) -> (i32, i32, i32) {
    %c0_i32 = arith.constant 0 : i32
    %c0_i32_0 = arith.constant 0 : i32
    %c0_i32_1 = arith.constant 0 : i32
    return %c0_i32, %arg0, %c0_i32_0 : i32, i32, i32
  }
  func.func @transform_2(%arg0: i32) -> (i32, i32) {
    %c0_i32 = arith.constant 0 : i32
    %c0_i32_0 = arith.constant 0 : i32
    %c0_i32_1 = arith.constant 0 : i32
    return %c0_i32, %c0_i32_0 : i32, i32
  }
  func.func @transform_3(%arg0: i32) -> (i32, i32) {
    %c0_i32 = arith.constant 0 : i32
    %c0_i32_0 = arith.constant 0 : i32
    %c0_i32_1 = arith.constant 0 : i32
    return %c0_i32, %c0_i32_0 : i32, i32
  }
  func.func @transform_4(%arg0: i32) -> (i32, i32, i32) {
    %c0_i32 = arith.constant 0 : i32
    %c0_i32_0 = arith.constant 0 : i32
    %c0_i32_1 = arith.constant 0 : i32
    return %c0_i32, %arg0, %c0_i32_0 : i32, i32, i32
  }
}

module attributes {stable_mosaic.version = 14 : i64} {
  func.func @_l3head_body(%arg0: i32, %arg1: memref<2x512x128xf32, #tpu.memory_space<vmem>>, %arg2: memref<2x512x128xf32, #tpu.memory_space<vmem>>, %arg3: memref<256x256xf32, #tpu.memory_space<vmem>>, %arg4: memref<1x256xf32, #tpu.memory_space<vmem>>, %arg5: memref<256x256xf32, #tpu.memory_space<vmem>>, %arg6: memref<1x256xf32, #tpu.memory_space<vmem>>, %arg7: memref<256x10xf32, #tpu.memory_space<vmem>>, %arg8: memref<1x10xf32, #tpu.memory_space<vmem>>, %arg9: memref<1x10xf32, #tpu.memory_space<vmem>>, %arg10: memref<8x256xf32, #tpu.memory_space<vmem>>) attributes {dimension_semantics = [#tpu.dimension_semantics<arbitrary>], iteration_bounds = array<i64: 20>, scalar_prefetch = 0 : i64, scratch_operands = 1 : i64, tpu.core_type = #tpu.core_type<tc>, window_params = [{transform_indices = @transform_0, window_bounds = array<i64: 2, 512, 128>}, {transform_indices = @transform_1, window_bounds = array<i64: 2, 512, 128>}, {pipeline_mode = #tpu.pipeline_mode<synchronous>, transform_indices = @transform_2, window_bounds = array<i64: 256, 256>}, {pipeline_mode = #tpu.pipeline_mode<synchronous>, transform_indices = @transform_3, window_bounds = array<i64: 1, 256>}, {pipeline_mode = #tpu.pipeline_mode<synchronous>, transform_indices = @transform_4, window_bounds = array<i64: 256, 256>}, {pipeline_mode = #tpu.pipeline_mode<synchronous>, transform_indices = @transform_5, window_bounds = array<i64: 1, 256>}, {pipeline_mode = #tpu.pipeline_mode<synchronous>, transform_indices = @transform_6, window_bounds = array<i64: 256, 10>}, {pipeline_mode = #tpu.pipeline_mode<synchronous>, transform_indices = @transform_7, window_bounds = array<i64: 1, 10>}, {pipeline_mode = #tpu.pipeline_mode<synchronous>, transform_indices = @transform_8, window_bounds = array<i64: 1, 10>}]} {
    %eq3A = arith.constant 0 : i32
    %eq3A_0 = arith.cmpi eq, %arg0, %eq3A : i32
    %convert_element_type3A = arith.extui %eq3A_0 : i1 to i32
    %cond3A = arith.constant 0 : i32
    %cond3A_1 = arith.cmpi ne, %convert_element_type3A, %cond3A : i32
    scf.if %cond3A_1 {
      %broadcast_in_dim3A_52 = arith.constant 0.000000e+00 : f32
      %broadcast_in_dim3A_53 = vector.broadcast %broadcast_in_dim3A_52 : f32 to vector<8x256xf32>
      %swap3A_54 = arith.constant 0 : index
      %swap3A_55 = arith.constant 0 : index
      %swap3A_56 = vector.load %arg10[%swap3A_54, %swap3A_55] : memref<8x256xf32, #tpu.memory_space<vmem>>, vector<8x256xf32>
      tpu.vector_store %arg10[%swap3A_54, %swap3A_55], %broadcast_in_dim3A_53 {strides = array<i32>} : memref<8x256xf32, #tpu.memory_space<vmem>>, vector<8x256xf32>,
    } else {
    }
    %get3A = arith.constant 0 : index
    %get3A_2 = arith.constant 0 : index
    %get3A_3 = arith.constant 0 : index
    %get3A_4 = vector.load %arg2[%get3A, %get3A_2, %get3A_3] : memref<2x512x128xf32, #tpu.memory_space<vmem>>, vector<2x512x128xf32>
    %slice3A = vector.extract_strided_slice %get3A_4 {offsets = [0, 0, 0], sizes = [1, 512, 1], strides = [1, 1, 1]} : vector<2x512x128xf32> to vector<1x512x1xf32>
    %squeeze3A = vector.shape_cast %slice3A : vector<1x512x1xf32> to vector<512x1xf32>
    %slice3A_5 = vector.extract_strided_slice %get3A_4 {offsets = [1, 0, 0], sizes = [1, 512, 1], strides = [1, 1, 1]} : vector<2x512x128xf32> to vector<1x512x1xf32>
    %squeeze3A_6 = vector.shape_cast %slice3A_5 : vector<1x512x1xf32> to vector<512x1xf32>
    %add3A = arith.addf %squeeze3A, %squeeze3A_6 : vector<512x1xf32>
    %add3A_7 = arith.constant 1.000000e+00 : f32
    %add3A_8 = vector.broadcast %add3A_7 : f32 to vector<512x1xf32>
    %add3A_9 = arith.addf %add3A, %add3A_8 : vector<512x1xf32>
    %rsqrt3A = math.rsqrt %add3A_9 : vector<512x1xf32>
    %get3A_10 = arith.constant 0 : index
    %get3A_11 = arith.constant 0 : index
    %get3A_12 = arith.constant 0 : index
    %get3A_13 = vector.load %arg1[%get3A_10, %get3A_11, %get3A_12] : memref<2x512x128xf32, #tpu.memory_space<vmem>>, vector<1x512x128xf32>
    %get3A_14 = vector.shape_cast %get3A_13 : vector<1x512x128xf32> to vector<512x128xf32>
    %get3A_15 = arith.constant 1 : index
    %get3A_16 = arith.constant 0 : index
    %get3A_17 = arith.constant 0 : index
    %get3A_18 = vector.load %arg1[%get3A_15, %get3A_16, %get3A_17] : memref<2x512x128xf32, #tpu.memory_space<vmem>>, vector<1x512x128xf32>
    %get3A_19 = vector.shape_cast %get3A_18 : vector<1x512x128xf32> to vector<512x128xf32>
    %concatenate3A = tpu.concatenate %get3A_14, %get3A_19 in 1 : vector<512x128xf32>, vector<512x128xf32> -> vector<512x256xf32>
    %mul3A = vector.broadcast %rsqrt3A : vector<512x1xf32> to vector<512x256xf32>
    %mul3A_20 = arith.mulf %concatenate3A, %mul3A : vector<512x256xf32>
    %get3A_21 = arith.constant 0 : index
    %get3A_22 = arith.constant 0 : index
    %get3A_23 = vector.load %arg3[%get3A_21, %get3A_22] : memref<256x256xf32, #tpu.memory_space<vmem>>, vector<256x256xf32>
    %dot_general3A = arith.constant dense<0.000000e+00> : vector<512x256xf32>
    %dot_general3A_24 = tpu.matmul %mul3A_20, %get3A_23, %dot_general3A {dimension_numbers = #tpu.dot_dimension_numbers<[1], [0], [0], [1], [0, 0, 1, 1], [], []>, transpose_lhs_hint = false} : vector<512x256xf32>, vector<256x256xf32>, vector<512x256xf32> -> vector<512x256xf32>
    %get3A_25 = arith.constant 0 : index
    %get3A_26 = arith.constant 0 : index
    %get3A_27 = vector.load %arg4[%get3A_25, %get3A_26] : memref<1x256xf32, #tpu.memory_space<vmem>>, vector<1x256xf32>
    %add3A_28 = vector.broadcast %get3A_27 : vector<1x256xf32> to vector<512x256xf32>
    %add3A_29 = arith.addf %dot_general3A_24, %add3A_28 : vector<512x256xf32>
    %max3A = arith.constant 0.000000e+00 : f32
    %max3A_30 = vector.broadcast %max3A : f32 to vector<512x256xf32>
    %max3A_31 = arith.maximumf %add3A_29, %max3A_30 : vector<512x256xf32>
    %mul3A_32 = arith.constant 512 : i32
    %mul3A_33 = arith.muli %arg0, %mul3A_32 : i32
    %iota3A = tpu.iota {dimensions = array<i32: 0>} : vector<512x1xi32>
    %add3A_34 = vector.broadcast %mul3A_33 : i32 to vector<512x1xi32>
    %add3A_35 = arith.addi %add3A_34, %iota3A : vector<512x1xi32>
    %lt3A = arith.constant 10000 : i32
    %lt3A_36 = vector.broadcast %lt3A : i32 to vector<512x1xi32>
    %lt3A_37 = arith.cmpi slt, %add3A_35, %lt3A_36 : vector<512x1xi32>
    %jit3A = arith.constant 0.000000e+00 : f32
    %broadcast_in_dim3A = vector.shape_cast %lt3A_37 : vector<512x1xi1> to vector<512x1xi1>
    %broadcast_in_dim3A_38 = vector.broadcast %broadcast_in_dim3A : vector<512x1xi1> to vector<512x256xi1>
    %broadcast_in_dim3A_39 = vector.broadcast %jit3A : f32 to vector<512x256xf32>
    %select_n3A = arith.select %broadcast_in_dim3A_38, %max3A_31, %broadcast_in_dim3A_39 : vector<512x256xi1>, vector<512x256xf32>
    %get3A_40 = arith.constant 0 : index
    %get3A_41 = arith.constant 0 : index
    %get3A_42 = vector.load %arg10[%get3A_40, %get3A_41] : memref<8x256xf32, #tpu.memory_space<vmem>>, vector<8x256xf32>
    %reshape3A = vector.shape_cast %select_n3A : vector<512x256xf32> to vector<64x8x256xf32>
    %reduce_sum3A = arith.constant dense<0.000000e+00> : vector<8x256xf32>
    %reduce_sum3A_43 = vector.multi_reduction <add>, %reshape3A, %reduce_sum3A [0] : vector<64x8x256xf32> to vector<8x256xf32>
    %add3A_44 = arith.addf %get3A_42, %reduce_sum3A_43 : vector<8x256xf32>
    %swap3A = arith.constant 0 : index
    %swap3A_45 = arith.constant 0 : index
    %swap3A_46 = vector.load %arg10[%swap3A, %swap3A_45] : memref<8x256xf32, #tpu.memory_space<vmem>>, vector<8x256xf32>
    tpu.vector_store %arg10[%swap3A, %swap3A_45], %add3A_44 {strides = array<i32>} : memref<8x256xf32, #tpu.memory_space<vmem>>, vector<8x256xf32>,
    %eq3A_47 = arith.constant 19 : i32
    %eq3A_48 = arith.cmpi eq, %arg0, %eq3A_47 : i32
    %convert_element_type3A_49 = arith.extui %eq3A_48 : i1 to i32
    %cond3A_50 = arith.constant 0 : i32
    %cond3A_51 = arith.cmpi ne, %convert_element_type3A_49, %cond3A_50 : i32
    scf.if %cond3A_51 {
      %get3A_52 = arith.constant 0 : index
      %get3A_53 = arith.constant 0 : index
      %get3A_54 = vector.load %arg10[%get3A_52, %get3A_53] : memref<8x256xf32, #tpu.memory_space<vmem>>, vector<8x256xf32>
      %reduce_sum3A_55 = arith.constant dense<0.000000e+00> : vector<256xf32>
      %reduce_sum3A_56 = vector.multi_reduction <add>, %get3A_54, %reduce_sum3A_55 [0] : vector<8x256xf32> to vector<256xf32>
      %broadcast_in_dim3A_57 = vector.shape_cast %reduce_sum3A_56 : vector<256xf32> to vector<1x256xf32>
      %mul3A_58 = arith.constant 9.99999974E-5 : f32
      %mul3A_59 = vector.broadcast %mul3A_58 : f32 to vector<1x256xf32>
      %mul3A_60 = arith.mulf %broadcast_in_dim3A_57, %mul3A_59 : vector<1x256xf32>
      %get3A_61 = arith.constant 0 : index
      %get3A_62 = arith.constant 0 : index
      %get3A_63 = vector.load %arg5[%get3A_61, %get3A_62] : memref<256x256xf32, #tpu.memory_space<vmem>>, vector<256x256xf32>
      %dot_general3A_64 = arith.constant dense<0.000000e+00> : vector<1x256xf32>
      %dot_general3A_65 = tpu.matmul %mul3A_60, %get3A_63, %dot_general3A_64 {dimension_numbers = #tpu.dot_dimension_numbers<[1], [0], [0], [1], [0, 0, 1, 1], [], []>, transpose_lhs_hint = false} : vector<1x256xf32>, vector<256x256xf32>, vector<1x256xf32> -> vector<1x256xf32>
      %get3A_66 = arith.constant 0 : index
      %get3A_67 = arith.constant 0 : index
      %get3A_68 = vector.load %arg6[%get3A_66, %get3A_67] : memref<1x256xf32, #tpu.memory_space<vmem>>, vector<1x256xf32>
      %add3A_69 = arith.addf %dot_general3A_65, %get3A_68 : vector<1x256xf32>
      %max3A_70 = arith.constant 0.000000e+00 : f32
      %max3A_71 = vector.broadcast %max3A_70 : f32 to vector<1x256xf32>
      %max3A_72 = arith.maximumf %add3A_69, %max3A_71 : vector<1x256xf32>
      %get3A_73 = arith.constant 0 : index
      %get3A_74 = arith.constant 0 : index
      %get3A_75 = vector.load %arg7[%get3A_73, %get3A_74] : memref<256x10xf32, #tpu.memory_space<vmem>>, vector<256x10xf32>
      %dot_general3A_76 = arith.constant dense<0.000000e+00> : vector<1x10xf32>
      %dot_general3A_77 = tpu.matmul %max3A_72, %get3A_75, %dot_general3A_76 {dimension_numbers = #tpu.dot_dimension_numbers<[1], [0], [0], [1], [0, 0, 1, 1], [], []>, transpose_lhs_hint = false} : vector<1x256xf32>, vector<256x10xf32>, vector<1x10xf32> -> vector<1x10xf32>
      %get3A_78 = arith.constant 0 : index
      %get3A_79 = arith.constant 0 : index
      %get3A_80 = vector.load %arg8[%get3A_78, %get3A_79] : memref<1x10xf32, #tpu.memory_space<vmem>>, vector<1x10xf32>
      %add3A_81 = arith.addf %dot_general3A_77, %get3A_80 : vector<1x10xf32>
      %swap3A_82 = arith.constant 0 : index
      %swap3A_83 = arith.constant 0 : index
      %swap3A_84 = vector.load %arg9[%swap3A_82, %swap3A_83] : memref<1x10xf32, #tpu.memory_space<vmem>>, vector<1x10xf32>
      tpu.vector_store %arg9[%swap3A_82, %swap3A_83], %add3A_81 {strides = array<i32>} : memref<1x10xf32, #tpu.memory_space<vmem>>, vector<1x10xf32>,
    } else {
    }
    return
  }
  func.func @transform_0(%arg0: i32) -> (i32, i32, i32) {
    %c0_i32 = arith.constant 0 : i32
    %c0_i32_0 = arith.constant 0 : i32
    %c0_i32_1 = arith.constant 0 : i32
    return %c0_i32, %arg0, %c0_i32_0 : i32, i32, i32
  }
  func.func @transform_1(%arg0: i32) -> (i32, i32, i32) {
    %c0_i32 = arith.constant 0 : i32
    %c0_i32_0 = arith.constant 0 : i32
    %c0_i32_1 = arith.constant 0 : i32
    return %c0_i32, %arg0, %c0_i32_0 : i32, i32, i32
  }
  func.func @transform_2(%arg0: i32) -> (i32, i32) {
    %c0_i32 = arith.constant 0 : i32
    %c0_i32_0 = arith.constant 0 : i32
    %c0_i32_1 = arith.constant 0 : i32
    return %c0_i32, %c0_i32_0 : i32, i32
  }
  func.func @transform_3(%arg0: i32) -> (i32, i32) {
    %c0_i32 = arith.constant 0 : i32
    %c0_i32_0 = arith.constant 0 : i32
    %c0_i32_1 = arith.constant 0 : i32
    return %c0_i32, %c0_i32_0 : i32, i32
  }
  func.func @transform_4(%arg0: i32) -> (i32, i32) {
    %c0_i32 = arith.constant 0 : i32
    %c0_i32_0 = arith.constant 0 : i32
    %c0_i32_1 = arith.constant 0 : i32
    return %c0_i32, %c0_i32_0 : i32, i32
  }
  func.func @transform_5(%arg0: i32) -> (i32, i32) {
    %c0_i32 = arith.constant 0 : i32
    %c0_i32_0 = arith.constant 0 : i32
    %c0_i32_1 = arith.constant 0 : i32
    return %c0_i32, %c0_i32_0 : i32, i32
  }
  func.func @transform_6(%arg0: i32) -> (i32, i32) {
    %c0_i32 = arith.constant 0 : i32
    %c0_i32_0 = arith.constant 0 : i32
    %c0_i32_1 = arith.constant 0 : i32
    return %c0_i32, %c0_i32_0 : i32, i32
  }
  func.func @transform_7(%arg0: i32) -> (i32, i32) {
    %c0_i32 = arith.constant 0 : i32
    %c0_i32_0 = arith.constant 0 : i32
    %c0_i32_1 = arith.constant 0 : i32
    return %c0_i32, %c0_i32_0 : i32, i32
  }
  func.func @transform_8(%arg0: i32) -> (i32, i32) {
    %c0_i32 = arith.constant 0 : i32
    %c0_i32_0 = arith.constant 0 : i32
    %c0_i32_1 = arith.constant 0 : i32
    return %c0_i32, %c0_i32_0 : i32, i32
  }
}

</mosaic_0001>

<sc_bundles>
// kernel: kernel.10.cloned.1.call-start
scs
__scs_entry_jumppad:
0x0: {  	(pc) =	sbr.rel $0x88, $3  }
0x1: {  	(tag) =	ssettag $0x0;
	lr =	simm.s32 $0x1  }
0x2: {  	[smem:$0x3F95] =	sst lr;
	_ =	strace $0xD0000000  }
0x3: {  	_ = 	snop  }
0x4: {  	_ = 	snop  }
0x5: {  	_ = 	snop  }
0x6: {  	_ = 	snop  }
0x7: {  	_ = 	snop  }
__scs_overlays_trampoline_lowered:
0x8: {  	[smem:$0x3FA4] =	sst s0  }
0x9: {  	[smem:$0x3FA5] =	sst s1  }
0xa: {  	[smem:$0x3FA6] =	sst s2  }
0xb: {  	[smem:$0x3FA7] =	sst s3  }
0xc: {  	[smem:$0x3FA8] =	sst s4  }
0xd: {  	[smem:$0x3FA9] =	sst s5  }
0xe: {  	[smem:$0x3FAA] =	sst s6  }
0xf: {  	[smem:$0x3FAB] =	sst s7  }
0x10: {  	[smem:$0x3FAC] =	sst s8  }
0x11: {  	[smem:$0x3FAD] =	sst s9;
	s0 =	simm.s32 @!p0 $0x0  }
0x12: {  	s1 =	sld [smem:$0x3F93];
	s0 =	simm.s32 @p0 $0x1  }
0x13: {  	[smem:$0x3FAE] =	sst s0;
	s0 =	simm.s32 @!p1 $0x0  }
0x14: {  	s2 =	sld [smem:$0x3F92];
	s0 =	simm.s32 @p1 $0x1  }
0x15: {  	[smem:$0x3FAF] =	sst s0;
	s0 =	simm.s32 @!p2 $0x0  }
0x16: {  	s3 =	sld [smem:$0x3FDB];
	s0 =	simm.s32 @p2 $0x1  }
0x17: {  	s4 =	simm.s32 $0x1BF5;
	[smem:$0x3FB1] =	sst s0  }
0x18: {  	s0 =	sld [smem:$0x3F94];
	_ =	swait.ge [sflag:s4], $0x0  }
0x19: {  	s7 =	sld [smem:$0x3F95]  }
0x1a: {  	s8 =	sadd.s32 $0xFFFFE003, lr  }
0x1b: {  	s9 =	sadd.s32 $0xFFFFFEF7, lr;
	s5 =	simm.s32 $0xFFFFFFFF;
	p2 =	slt.u32 s8, $0xFFFFF086  }
0x1c: {  	p1 =	slt.u32 s9, $0xF7A;
	s5 =	simm.s32 @!p2 $0x0  }
0x1d: {  	s5 =	simm.s32 @p1 $0x1;
	p0 =	seq.s32 s7, s2  }
0x1e: {  	s7 =	smul.u32 @!p0 $0xF7A, s2;
	p2 =	seq.s32 @!p0 s5, $0x0  }
0x1f: {  	s9 =	smul.u32 $0xF7A, s1;
	s8 =	simm.s32 @!p0 $0x1BF5;
	p2 =	por !p2, p0  }
0x20: {  	[sflag:s8] =	ssyncset.s32 @!p0 $0xFFFFF086;
	s6 =	sadd.s32 @!p0 s3, s7;
	s7 =	simm.s32 @!p0 $0x108  }
0x21: {  	s3 =	sadd.s32 s3, s9;
	s6 =	sadd.s32 @!p0 $0x88, s6;
	s7 =	simm.s32 @p2 $0x1082  }
0x22: {  	[simem:s7], [sflag:s8] =	dma.local @!p0 [hbm:s6], $0xF7A  }
0x23: {  	s9 =	sor.u32 $0xD0000000, s2;
	s6 =	simm.s32 $0x108;
	_ =	swait.ge @!p0 [sflag:s8], $0x0  }
0x24: {  	s3 =	sadd.s32 $0x88, s3;
	s6 =	simm.s32 @!p1 $0x1082;
	[sflag:s4] =	ssyncset.s32 $0xFFFFF086  }
0x25: {  	[simem:s6], [sflag:s4] =	dma.local [hbm:s3], $0xF7A  }
0x26: {  	[smem:$0x3F95] =	sst s1;
	(tag) =	ssettag s2;
	_ =	strace s9  }
0x27: {  	s1 =	sld [smem:$0x3FA5]  }
0x28: {  	s2 =	sld [smem:$0x3FA6]  }
0x29: {  	s4 =	sld [smem:$0x3FA8]  }
0x2a: {  	p0 =	seq.s32 s5, $0x0;
	s5 =	sld [smem:$0x3FA9]  }
0x2b: {  	s6 =	sld [smem:$0x3FAA]  }
0x2c: {  	s7 =	sld [smem:$0x3FAB]  }
0x2d: {  	s3 =	simm.s32 $0x108;
	s8 =	sld [smem:$0x3FAC]  }
0x2e: {  	s3 =	simm.s32 @!p0 $0x1082;
	s9 =	sld [smem:$0x3FAD]  }
0x2f: {  	lr =	sadd.s32 s0, s3;
	s0 =	sld [smem:$0x3FA4]  }
0x30: {  	s3 =	sld [smem:$0x3FA7]  }
0x31: {  	[smem:$0x3FB0] =	sst s10  }
0x32: {  	s10 =	sld [smem:$0x3FAE];
	_ =	sdelay $0x3  }
0x33: {  	p0 =	seq.s32 s10, $0x1;
	s10 =	sld [smem:$0x3FB0];
	_ =	sdelay $0x3  }
0x34: {  	[smem:$0x3FB0] =	sst s10  }
0x35: {  	s10 =	sld [smem:$0x3FAF];
	_ =	sdelay $0x3  }
0x36: {  	p1 =	seq.s32 s10, $0x1;
	s10 =	sld [smem:$0x3FB0];
	_ =	sdelay $0x3  }
0x37: {  	[smem:$0x3FB0] =	sst s10  }
0x38: {  	s10 =	sld [smem:$0x3FB1]  }
0x39: {  	_ = 	snop;
	(pc) =	sbr.ind lr, $3  }
0x3a: {  	_ = 	snop  }
0x3b: {  	_ = 	snop  }
0x3c: {  	p2 =	seq.s32 s10, $0x1;
	s10 =	sld [smem:$0x3FB0]  }
0x3d: {  	_ =	shalt  }
0x3e: {  	_ =	shalt  }
0x3f: {  	_ =	shalt  }
0x40: {  	_ =	shalt  }
0x41: {  	_ =	shalt  }
0x42: {  	_ =	shalt  }
0x43: {  	_ =	shalt  }
0x44: {  	_ =	shalt  }
0x45: {  	_ =	shalt  }
0x46: {  	_ =	shalt  }
0x47: {  	_ =	shalt  }
0x48: {  	_ =	shalt  }
0x49: {  	_ =	shalt  }
0x4a: {  	_ =	shalt  }
0x4b: {  	_ =	shalt  }
0x4c: {  	_ =	shalt  }
0x4d: {  	_ =	shalt  }
0x4e: {  	_ =	shalt  }
0x4f: {  	_ =	shalt  }
0x50: {  	_ =	shalt  }
0x51: {  	_ =	shalt  }
0x52: {  	_ =	shalt  }
0x53: {  	_ =	shalt  }
0x54: {  	_ =	shalt  }
0x55: {  	_ =	shalt  }
0x56: {  	_ =	shalt  }
0x57: {  	_ =	shalt  }
0x58: {  	_ =	shalt  }
0x59: {  	_ =	shalt  }
0x5a: {  	_ =	shalt  }
0x5b: {  	_ =	shalt  }
0x5c: {  	_ =	shalt  }
0x5d: {  	_ =	shalt  }
0x5e: {  	_ =	shalt  }
0x5f: {  	_ =	shalt  }
0x60: {  	_ =	shalt  }
0x61: {  	_ =	shalt  }
0x62: {  	_ =	shalt  }
0x63: {  	_ =	shalt  }
0x64: {  	_ =	shalt  }
0x65: {  	_ =	shalt  }
0x66: {  	_ =	shalt  }
0x67: {  	_ =	shalt  }
0x68: {  	_ =	shalt  }
0x69: {  	_ =	shalt  }
0x6a: {  	_ =	shalt  }
0x6b: {  	_ =	shalt  }
0x6c: {  	_ =	shalt  }
0x6d: {  	_ =	shalt  }
0x6e: {  	_ =	shalt  }
0x6f: {  	_ =	shalt  }
0x70: {  	_ =	shalt  }
0x71: {  	_ =	shalt  }
0x72: {  	_ =	shalt  }
0x73: {  	_ =	shalt  }
0x74: {  	_ =	shalt  }
0x75: {  	_ =	shalt  }
0x76: {  	_ =	shalt  }
0x77: {  	_ =	shalt  }
0x78: {  	_ =	shalt  }
0x79: {  	_ =	shalt  }
0x7a: {  	_ =	shalt  }
0x7b: {  	_ =	shalt  }
0x7c: {  	_ =	shalt  }
0x7d: {  	_ =	shalt  }
0x7e: {  	_ =	shalt  }
0x7f: {  	_ =	shalt  }
0x80: {  	_ =	shalt  }
0x81: {  	_ =	shalt  }
0x82: {  	_ =	shalt  }
0x83: {  	_ =	shalt  }
0x84: {  	_ =	shalt  }
0x85: {  	_ =	shalt  }
0x86: {  	_ =	shalt  }
0x87: {  	_ =	shalt  }
.Lfunc_end0:
.L_simem_size_0:
called_computation_lowered:
.L_overlay_start_0:
0x88: {  	s2 =	sld [smem:$0x3FD9]  }
0x89: {  	s3 =	sld [smem:$0x3FFE];
	_ =	sdelay $0x1  }
0x8a: {  	s1 =	srdreg.scid  }
0x8b: {  	s0 =	sand.u32 $0x1, s1  }
0x8c: {  	s16 =	sshll.u32 s0, $0xA;
	s2 =	sadd.s32 s3, s2  }
0x8d: {  	s2 =	sadd.s32 s2, s16  }
0x8e: {  	[smem:$0x3FBC] =	sst s2  }
0x8f: {  	_ = 	snop  }
0x90: {  	(tm) =	ssettm $0x1  }
0x91: {  	s17 =	sld [smem:$0x3FFB];
	_ =	sdelay $0x3  }
0x92: {  	_ =	strace s17  }
0x93: {  	s2 =	sld [smem:$0x3FFC];
	_ =	sdelay $0x3  }
0x94: {  	_ =	strace s2  }
0x95: {  	s2 =	sld [smem:$0x3FFD];
	_ =	sdelay $0x3  }
0x96: {  	_ =	strace s2  }
0x97: {  	_ =	strace $0x8FFFFFFF  }
0x98: {  	s18 =	sld [smem:$0x3FDB];
	_ =	sdelay $0x1  }
0x99: {  	s19 =	simm.s32 $_scs_section_size  }
0x9a: {  	s4 =	simm.s32 $_size__tile_overlayer_lowered;
	s5 =	simm.s32 $_tile_overlayer_lowered  }
0x9b: {  	s22 =	simm.s32 $0x1BFF;
	s21 =	sshll.u32 s5, $0x1;
	s2 =	sadd.s32 s19, s18  }
0x9c: {  	s6 =	simm.s32 $0x0;
	s20 =	sshll.u32 s4, $0x1;
	s4 =	sadd.s32 s21, s2  }
0x9d: {  	[timem:s6], [sflag:s22] =	dma.local [hbm:s4], s20  }
0x9e: {  	_ =	swait.ge [sflag:s22], s20  }
0x9f: {  	s3 =	ssub.s32 $0x0, s20;
	[sflag:s22] =	ssyncset.done $0x0  }
0xa0: {  	[sflag:s22] =	ssyncadd.s32 s3;
	_ =	sdelay $0x1  }
0xa1: {  	s23 =	simm.s32 $0x1B8B  }
0xa2: {  	_ =	swait.ge [sflag:s23], $0x1  }
0xa3: {  	[sflag:s23] =	ssyncset.done $0x0  }
0xa4: {  	s25 =	simm.s32 $0x1B8E;
	s24 =	sld [smem:$0x3FFE];
	[sflag:s23] =	ssyncadd.s32 $0xFFFFFFFF  }
0xa5: {  	s26 =	simm.s32 $execute0_lowered;
	[smem:$0x3FD2] =	sst s25  }
0xa6: {  	s4 =	sshll.u32 s26, $0x1;
	_ =	strace $0x80000046;
	[dreg:$0x1] =	wrdreg $0xFFFFFFFF  }
0xa7: {  	s28 =	simm.s32 $_size_execute0_lowered;
	s2 =	sadd.s32 s2, s4;
	[dreg:$0x0] =	wrdreg $0x0  }
0xa8: {  	s4 =	sshll.u32 s28, $0x1;
	[dreg:$0x2] =	wrdreg s2  }
0xa9: {  	[dreg:$0x3] =	wrdreg s4  }
0xaa: {  	[dreg:$0x4] =	wrdreg $0xC0  }
0xab: {  	_ =	task [dreg:s6], $0x5FFFF  }
0xac: {  	[dreg:$0x1] =	wrdreg $0xFFFFFFFF  }
0xad: {  	[dreg:$0x0] =	wrdreg $0x60  }
0xae: {  	[dreg:$0x2] =	wrdreg s24  }
0xaf: {  	[dreg:$0x3] =	wrdreg $0x68000  }
0xb0: {  	[dreg:$0x4] =	wrdreg $0x9  }
0xb1: {  	_ =	task.clear_ibuf [dreg:s6], $0x5FFFF;
	_ =	strace $0x90000046  }
0xb2: {  	s29 =	simm.s32 $0x9;
	_ =	strace $0x80000048  }
0xb3: {  	_ =	swait.ge [sflag:s29], $0x1  }
0xb4: {  	[sflag:s29] =	ssyncadd.s32 $0xFFFFFFFF  }
0xb5: {  	_ =	strace $0x90000048  }
0xb6: {  	_ =	sfence  }
0xb7: {  	s30 =	sld [smem:$0x0];
	_ =	sdelay $0x2  }
0xb8: {  	s31 =	sshll.u32 s1, $0xD;
	s1 =	sshrl.u32 s1, $0x2  }
0xb9: {  	s3 =	sand.u32 $0x4000, s31;
	s1 =	sadd.s32 s1, s30  }
0xba: {  	s0 =	sor.u32 s3, s0;
	s1 =	sshll.u32 s1, $0x11  }
0xbb: {  	s0 =	sor.u32 s1, s0  }
0xbc: {  	s0 =	sadd.s32 $0x8F2B, s0  }
0xbd: {  	[sflag:s0] =	ssyncadd.remote.s32 $0x1  }
0xbe: {  	_ =	sfence.sel $0xFFFF  }
0xbf: {  	[dreg:$0x0] =	wrdreg $0xFFFFFFFF;
	(pc) =	sbr.abs _section_cstart, $3  }
0xc0: {  	[dreg:$0x1] =	wrdreg $0xFFFFFFFF  }
0xc1: {  	_ =	task.clear_ibuf [dreg:s6], $0x2FFFF;
	_ =	strace $0x9FFFFFFF  }
0xc2: {  	(tm) =	ssettm $0x7FFFFFFF  }
0xc3: {  	_ =	shalt  }
tec
execute0_lowered:
.L_overlay_start_1:
0x0: {  	(tag) =	ssettag $0x1  }
0x1: {  	s0 =	srdreg.scid;
	s5 =	rddreg [dreg:$0x0]  }
0x2: {  	s2 =	rddreg [dreg:$0x1];
	s4 =	sand.u32 $0x1, s0  }
0x3: {  	s0 =	stileid.u32;
	s6 =	smul.u32 $0x28000, s4  }
0x4: {  	s1 =	rddreg [dreg:$0x2];
	s3 =	simm.s32 $0x0;
	s7 =	smul.u32 $0x2800, s0  }
0x5: {  	s14 =	simm.s32 $0x0;
	[smem:$0x7FF] =	sst s3;
	s8 =	smul.u32 $0x14000, s0  }
0x6: {  	s9 =	smul.u32 $0x140000, s4;
	_ =	strace $0x80000047;
	s28 =	ssub.s32 $0x2, s4  }
0x7: {  	s29 =	smul.u32 $0x50000, s0;
	s4 =	sadd.s32 $0x35E00, s5;
	s31 =	sshll.u32 s0, $0x6  }
0x8: {  	s11 =	sshrl.u32 s28, $0x1;
	s6 =	sadd.s32 s7, s6;
	s24 =	sshrl.u32 s8, $0x3  }
0x9: {  	s26 =	sadd.s32 s8, s9;
	s11 =	ssub.s32 s28, s11;
	s30 =	sshrl.u32 s29, $0x2  }
0xa: {  	s6 =	sshrl.u32 s6, $0x3;
	s25 =	sadd.s32 s24, s5;
	s7 =	sshrl.u32 s26, $0x3  }
0xb: {  	s13 =	sadd.s32 s30, s2;
	s9 =	smax.u32 s11, $0x1;
	s11 =	simm.s32 $0x1  }
0xc: {  	s10 =	sadd.s32 s6, s5;
	s12 =	sadd.s32 s7, s5;
	s5 =	sadd.s32 $0xDE00, s25  }
0xd: {  	s6 =	sor.u32 $0x1C01, s31;
	s7 =	sadd.s32 $0x3E00, s10;
	s8 =	sadd.s32 $0x36600, s12  }
0xe: {  	s10 =	sshrl.u32 s13, $0x3;
	s12 =	simm.s32 $0x2800;
	s13 =	simm.s32 $0x80  }
.LBB2_1:
0xf: {  	[spmem:s10], [sflag:s6] =	dma.local [hbm:s5], $0x2800  }
0x10: {  	_ =	swait.ge [sflag:s11], $0x2800  }
0x11: {  	[sflag:s11] =	ssyncset.done $0x0  }
0x12: {  	[sflag:s11] =	ssyncadd.s32 $0xFFFFD800  }
0x13: {  	[tilespmem:s3], [sflag:$0x1] =	stream.linear.gather [hbm4b:s7+s3], $0x2800, $0x38;
	[tilespmem:$0x1A800] =	vst v63  }
0x14: {  	_ =	swait.ge [sflag:s11], $0x2800  }
0x15: {  	[sflag:s11] =	ssyncset.done $0x0  }
0x16: {  	[sflag:s11] =	ssyncadd.s32 $0xFFFFD800  }
0x17: {  	[tilespmem:s12], [sflag:$0x1] =	stream.linear.gather [hbm4b:s4+s3], $0x4000, $0x38;
	[tilespmem:$0x1A800] =	vst v63  }
0x18: {  	_ =	swait.ge [sflag:s11], $0x4000  }
0x19: {  	[sflag:s11] =	ssyncset.done $0x0  }
0x1a: {  	[sflag:s11] =	ssyncadd.s32 $0xFFFFC000  }
0x1b: {  	s15 =	simm.s32 $0x0;
	[bflag:$0x0] =	sbarrier.arrive $0xFFFF  }
0x1c: {  	[spmem:s2] =	stream.indirect.scatter.add.f32 [tilespmem:s12], [sflag:$0x1], $0x80, s15, s13, $0xb8;
	[tilespmem:$0x1A800] =	vst v63  }
0x1d: {  	_ =	swait.ge [sflag:s11], $0x4000  }
0x1e: {  	s15 =	simm.s32 $0x200;
	[sflag:s11] =	ssyncset.done $0x0  }
.LBB2_2:
0x1f: {  	s16 =	sshra.s32 s15, $0x2;
	[sflag:s11] =	ssyncadd.s32 $0xFFFFC000;
	p0 =	sne.s32 s15, $0x9E00  }
0x20: {  	[spmem:s2] =	stream.indirect.scatter.add.f32 [tilespmem:s12], [sflag:$0x1], $0x80, s16, s13, $0xb8;
	[tilespmem:$0x1A800] =	vst v63  }
.Ltmp0:
0x21: {  	_ = 	snop;
	(pc) =	sbr.rel @p0 .LBB2_2-.Ltmp0, $4  }
0x22: {  	_ = 	snop  }
0x23: {  	s15 =	sadd.s32 $0x200, s15  }
0x24: {  	_ =	swait.ge [sflag:s11], $0x4000  }
0x25: {  	[sflag:s11] =	ssyncset.done $0x0  }
0x26: {  	s14 =	sadd.s32 $0x1, s14  }
0x27: {  	[sflag:s11] =	ssyncadd.s32 $0xFFFFC000;
	p0 =	sne.s32 s14, s9  }
.Ltmp1:
0x28: {  	[bflag:$0x0] =	sbarrier.arrive $0xFFFF;
	(pc) =	sbr.rel @p0 .LBB2_1-.Ltmp1, $4  }
0x29: {  	[hbm:s8], [sflag:s6] =	dma.local [spmem:s10], $0x2800  }
0x2a: {  	_ =	swait.ge [sflag:s11], $0x2800  }
0x2b: {  	[sflag:s11] =	ssyncset.done $0x0  }
0x2c: {  	[sflag:s11] =	ssyncadd.s32 $0xFFFFD800  }
0x2d: {  	_ =	sfence.sel $0x180000  }
0x2e: {  	[bflag:$0x0] =	sbarrier.arrive $0xFFFF  }
0x2f: {  	p0 =	sne.s32 s0, $0x0;
	_ =	strace $0x90000047  }
0x30: {  	s0 =	sadd.s32 @!p0 $0x100000, s1;
	[bflag:$0x2] =	sbarrier.arrive $0xFFFF  }
0x31: {  	[sflag:s0] =	ssyncadd.tile.s32 @!p0 $0x1;
	_ =	shalt  }
.Lfunc_end2:
_tile_overlayer_lowered:
.L_overlay_start_2:
0x32: {  	(tag) =	ssettag $0x2  }
0x33: {  	s0 =	rddreg [dreg:$0x0];
	s2 =	stileid.u32  }
0x34: {  	s1 =	rddreg [dreg:$0x1];
	p0 =	sne.s32 s2, $0x0  }
0x35: {  	s3 =	rddreg [dreg:$0x2];
	[bflag:$0x3] =	sbarrier.arrive $0xFFFF;
	s2 =	simm.s32 @!p0 $0x1C01  }
0x36: {  	[timem:s3], [sflag:s2] =	dma.local @!p0 [hbm:s0], s1  }
0x37: {  	s0 =	simm.s32 @!p0 $0x1  }
0x38: {  	_ =	swait.ge @!p0 [sflag:s0], s1  }
0x39: {  	s1 =	ssub.s32 @!p0 $0x0, s1;
	[sflag:s0] =	ssyncset.done @!p0 $0x0  }
0x3a: {  	[sflag:s0] =	ssyncadd.s32 @!p0 s1  }
0x3b: {  	[bflag:$0x3] =	sbarrier.arrive $0xFFFF  }
0x3c: {  	_ =	shalt  }

// kernel: kernel.13.cloned.1.call-start
scs
__scs_entry_jumppad:
0x0: {  	(pc) =	sbr.rel $0x88, $3  }
0x1: {  	(tag) =	ssettag $0x0;
	lr =	simm.s32 $0x1  }
0x2: {  	[smem:$0x3F95] =	sst lr;
	_ =	strace $0xD0000000  }
0x3: {  	_ = 	snop  }
0x4: {  	_ = 	snop  }
0x5: {  	_ = 	snop  }
0x6: {  	_ = 	snop  }
0x7: {  	_ = 	snop  }
__scs_overlays_trampoline_lowered:
0x8: {  	[smem:$0x3FA4] =	sst s0  }
0x9: {  	[smem:$0x3FA5] =	sst s1  }
0xa: {  	[smem:$0x3FA6] =	sst s2  }
0xb: {  	[smem:$0x3FA7] =	sst s3  }
0xc: {  	[smem:$0x3FA8] =	sst s4  }
0xd: {  	[smem:$0x3FA9] =	sst s5  }
0xe: {  	[smem:$0x3FAA] =	sst s6  }
0xf: {  	[smem:$0x3FAB] =	sst s7  }
0x10: {  	[smem:$0x3FAC] =	sst s8  }
0x11: {  	[smem:$0x3FAD] =	sst s9;
	s0 =	simm.s32 @!p0 $0x0  }
0x12: {  	s1 =	sld [smem:$0x3F93];
	s0 =	simm.s32 @p0 $0x1  }
0x13: {  	[smem:$0x3FAE] =	sst s0;
	s0 =	simm.s32 @!p1 $0x0  }
0x14: {  	s2 =	sld [smem:$0x3F92];
	s0 =	simm.s32 @p1 $0x1  }
0x15: {  	[smem:$0x3FAF] =	sst s0;
	s0 =	simm.s32 @!p2 $0x0  }
0x16: {  	s3 =	sld [smem:$0x3FDB];
	s0 =	simm.s32 @p2 $0x1  }
0x17: {  	s4 =	simm.s32 $0x1BF5;
	[smem:$0x3FB1] =	sst s0  }
0x18: {  	s0 =	sld [smem:$0x3F94];
	_ =	swait.ge [sflag:s4], $0x0  }
0x19: {  	s7 =	sld [smem:$0x3F95]  }
0x1a: {  	s8 =	sadd.s32 $0xFFFFE003, lr  }
0x1b: {  	s9 =	sadd.s32 $0xFFFFFEF7, lr;
	s5 =	simm.s32 $0xFFFFFFFF;
	p2 =	slt.u32 s8, $0xFFFFF086  }
0x1c: {  	p1 =	slt.u32 s9, $0xF7A;
	s5 =	simm.s32 @!p2 $0x0  }
0x1d: {  	s5 =	simm.s32 @p1 $0x1;
	p0 =	seq.s32 s7, s2  }
0x1e: {  	s7 =	smul.u32 @!p0 $0xF7A, s2;
	p2 =	seq.s32 @!p0 s5, $0x0  }
0x1f: {  	s9 =	smul.u32 $0xF7A, s1;
	s8 =	simm.s32 @!p0 $0x1BF5;
	p2 =	por !p2, p0  }
0x20: {  	[sflag:s8] =	ssyncset.s32 @!p0 $0xFFFFF086;
	s6 =	sadd.s32 @!p0 s3, s7;
	s7 =	simm.s32 @!p0 $0x108  }
0x21: {  	s3 =	sadd.s32 s3, s9;
	s6 =	sadd.s32 @!p0 $0x88, s6;
	s7 =	simm.s32 @p2 $0x1082  }
0x22: {  	[simem:s7], [sflag:s8] =	dma.local @!p0 [hbm:s6], $0xF7A  }
0x23: {  	s9 =	sor.u32 $0xD0000000, s2;
	s6 =	simm.s32 $0x108;
	_ =	swait.ge @!p0 [sflag:s8], $0x0  }
0x24: {  	s3 =	sadd.s32 $0x88, s3;
	s6 =	simm.s32 @!p1 $0x1082;
	[sflag:s4] =	ssyncset.s32 $0xFFFFF086  }
0x25: {  	[simem:s6], [sflag:s4] =	dma.local [hbm:s3], $0xF7A  }
0x26: {  	[smem:$0x3F95] =	sst s1;
	(tag) =	ssettag s2;
	_ =	strace s9  }
0x27: {  	s1 =	sld [smem:$0x3FA5]  }
0x28: {  	s2 =	sld [smem:$0x3FA6]  }
0x29: {  	s4 =	sld [smem:$0x3FA8]  }
0x2a: {  	p0 =	seq.s32 s5, $0x0;
	s5 =	sld [smem:$0x3FA9]  }
0x2b: {  	s6 =	sld [smem:$0x3FAA]  }
0x2c: {  	s7 =	sld [smem:$0x3FAB]  }
0x2d: {  	s3 =	simm.s32 $0x108;
	s8 =	sld [smem:$0x3FAC]  }
0x2e: {  	s3 =	simm.s32 @!p0 $0x1082;
	s9 =	sld [smem:$0x3FAD]  }
0x2f: {  	lr =	sadd.s32 s0, s3;
	s0 =	sld [smem:$0x3FA4]  }
0x30: {  	s3 =	sld [smem:$0x3FA7]  }
0x31: {  	[smem:$0x3FB0] =	sst s10  }
0x32: {  	s10 =	sld [smem:$0x3FAE];
	_ =	sdelay $0x3  }
0x33: {  	p0 =	seq.s32 s10, $0x1;
	s10 =	sld [smem:$0x3FB0];
	_ =	sdelay $0x3  }
0x34: {  	[smem:$0x3FB0] =	sst s10  }
0x35: {  	s10 =	sld [smem:$0x3FAF];
	_ =	sdelay $0x3  }
0x36: {  	p1 =	seq.s32 s10, $0x1;
	s10 =	sld [smem:$0x3FB0];
	_ =	sdelay $0x3  }
0x37: {  	[smem:$0x3FB0] =	sst s10  }
0x38: {  	s10 =	sld [smem:$0x3FB1]  }
0x39: {  	_ = 	snop;
	(pc) =	sbr.ind lr, $3  }
0x3a: {  	_ = 	snop  }
0x3b: {  	_ = 	snop  }
0x3c: {  	p2 =	seq.s32 s10, $0x1;
	s10 =	sld [smem:$0x3FB0]  }
0x3d: {  	_ =	shalt  }
0x3e: {  	_ =	shalt  }
0x3f: {  	_ =	shalt  }
0x40: {  	_ =	shalt  }
0x41: {  	_ =	shalt  }
0x42: {  	_ =	shalt  }
0x43: {  	_ =	shalt  }
0x44: {  	_ =	shalt  }
0x45: {  	_ =	shalt  }
0x46: {  	_ =	shalt  }
0x47: {  	_ =	shalt  }
0x48: {  	_ =	shalt  }
0x49: {  	_ =	shalt  }
0x4a: {  	_ =	shalt  }
0x4b: {  	_ =	shalt  }
0x4c: {  	_ =	shalt  }
0x4d: {  	_ =	shalt  }
0x4e: {  	_ =	shalt  }
0x4f: {  	_ =	shalt  }
0x50: {  	_ =	shalt  }
0x51: {  	_ =	shalt  }
0x52: {  	_ =	shalt  }
0x53: {  	_ =	shalt  }
0x54: {  	_ =	shalt  }
0x55: {  	_ =	shalt  }
0x56: {  	_ =	shalt  }
0x57: {  	_ =	shalt  }
0x58: {  	_ =	shalt  }
0x59: {  	_ =	shalt  }
0x5a: {  	_ =	shalt  }
0x5b: {  	_ =	shalt  }
0x5c: {  	_ =	shalt  }
0x5d: {  	_ =	shalt  }
0x5e: {  	_ =	shalt  }
0x5f: {  	_ =	shalt  }
0x60: {  	_ =	shalt  }
0x61: {  	_ =	shalt  }
0x62: {  	_ =	shalt  }
0x63: {  	_ =	shalt  }
0x64: {  	_ =	shalt  }
0x65: {  	_ =	shalt  }
0x66: {  	_ =	shalt  }
0x67: {  	_ =	shalt  }
0x68: {  	_ =	shalt  }
0x69: {  	_ =	shalt  }
0x6a: {  	_ =	shalt  }
0x6b: {  	_ =	shalt  }
0x6c: {  	_ =	shalt  }
0x6d: {  	_ =	shalt  }
0x6e: {  	_ =	shalt  }
0x6f: {  	_ =	shalt  }
0x70: {  	_ =	shalt  }
0x71: {  	_ =	shalt  }
0x72: {  	_ =	shalt  }
0x73: {  	_ =	shalt  }
0x74: {  	_ =	shalt  }
0x75: {  	_ =	shalt  }
0x76: {  	_ =	shalt  }
0x77: {  	_ =	shalt  }
0x78: {  	_ =	shalt  }
0x79: {  	_ =	shalt  }
0x7a: {  	_ =	shalt  }
0x7b: {  	_ =	shalt  }
0x7c: {  	_ =	shalt  }
0x7d: {  	_ =	shalt  }
0x7e: {  	_ =	shalt  }
0x7f: {  	_ =	shalt  }
0x80: {  	_ =	shalt  }
0x81: {  	_ =	shalt  }
0x82: {  	_ =	shalt  }
0x83: {  	_ =	shalt  }
0x84: {  	_ =	shalt  }
0x85: {  	_ =	shalt  }
0x86: {  	_ =	shalt  }
0x87: {  	_ =	shalt  }
.Lfunc_end0:
.L_simem_size_0:
called_computation.1_lowered:
.L_overlay_start_0:
0x88: {  	s2 =	sld [smem:$0x3FD9]  }
0x89: {  	s3 =	sld [smem:$0x3FFE];
	_ =	sdelay $0x1  }
0x8a: {  	s1 =	srdreg.scid  }
0x8b: {  	s0 =	sand.u32 $0x1, s1  }
0x8c: {  	s16 =	sshll.u32 s0, $0xA;
	s2 =	sadd.s32 s3, s2  }
0x8d: {  	s2 =	sadd.s32 s2, s16  }
0x8e: {  	[smem:$0x3FBC] =	sst s2  }
0x8f: {  	_ = 	snop  }
0x90: {  	(tm) =	ssettm $0x1  }
0x91: {  	s17 =	sld [smem:$0x3FFB];
	_ =	sdelay $0x3  }
0x92: {  	_ =	strace s17  }
0x93: {  	s2 =	sld [smem:$0x3FFC];
	_ =	sdelay $0x3  }
0x94: {  	_ =	strace s2  }
0x95: {  	s2 =	sld [smem:$0x3FFD];
	_ =	sdelay $0x3  }
0x96: {  	_ =	strace s2  }
0x97: {  	_ =	strace $0x8FFFFFFF  }
0x98: {  	s18 =	sld [smem:$0x3FDB];
	_ =	sdelay $0x1  }
0x99: {  	s19 =	simm.s32 $_scs_section_size  }
0x9a: {  	s4 =	simm.s32 $_size__tile_overlayer_lowered;
	s5 =	simm.s32 $_tile_overlayer_lowered  }
0x9b: {  	s22 =	simm.s32 $0x1BFF;
	s21 =	sshll.u32 s5, $0x1;
	s2 =	sadd.s32 s19, s18  }
0x9c: {  	s6 =	simm.s32 $0x0;
	s20 =	sshll.u32 s4, $0x1;
	s4 =	sadd.s32 s21, s2  }
0x9d: {  	[timem:s6], [sflag:s22] =	dma.local [hbm:s4], s20  }
0x9e: {  	_ =	swait.ge [sflag:s22], s20  }
0x9f: {  	s3 =	ssub.s32 $0x0, s20;
	[sflag:s22] =	ssyncset.done $0x0  }
0xa0: {  	[sflag:s22] =	ssyncadd.s32 s3;
	_ =	sdelay $0x1  }
0xa1: {  	s23 =	simm.s32 $0x1B8B  }
0xa2: {  	_ =	swait.ge [sflag:s23], $0x1  }
0xa3: {  	[sflag:s23] =	ssyncset.done $0x0  }
0xa4: {  	s25 =	simm.s32 $0x1B8E;
	s24 =	sld [smem:$0x3FFE];
	[sflag:s23] =	ssyncadd.s32 $0xFFFFFFFF  }
0xa5: {  	s26 =	simm.s32 $execute0_lowered;
	[smem:$0x3FD2] =	sst s25  }
0xa6: {  	s4 =	sshll.u32 s26, $0x1;
	_ =	strace $0x80000049;
	[dreg:$0x1] =	wrdreg $0xFFFFFFFF  }
0xa7: {  	s28 =	simm.s32 $_size_execute0_lowered;
	s2 =	sadd.s32 s2, s4;
	[dreg:$0x0] =	wrdreg $0x0  }
0xa8: {  	s4 =	sshll.u32 s28, $0x1;
	[dreg:$0x2] =	wrdreg s2  }
0xa9: {  	[dreg:$0x3] =	wrdreg s4  }
0xaa: {  	[dreg:$0x4] =	wrdreg $0xC0  }
0xab: {  	_ =	task [dreg:s6], $0x5FFFF  }
0xac: {  	[dreg:$0x1] =	wrdreg $0xFFFFFFFF  }
0xad: {  	[dreg:$0x0] =	wrdreg $0x60  }
0xae: {  	[dreg:$0x2] =	wrdreg s24  }
0xaf: {  	[dreg:$0x3] =	wrdreg $0xA8000  }
0xb0: {  	[dreg:$0x4] =	wrdreg $0x9  }
0xb1: {  	_ =	task.clear_ibuf [dreg:s6], $0x5FFFF;
	_ =	strace $0x90000049  }
0xb2: {  	s29 =	simm.s32 $0x9;
	_ =	strace $0x8000004B  }
0xb3: {  	_ =	swait.ge [sflag:s29], $0x1  }
0xb4: {  	[sflag:s29] =	ssyncadd.s32 $0xFFFFFFFF  }
0xb5: {  	_ =	strace $0x9000004B  }
0xb6: {  	_ =	sfence  }
0xb7: {  	s30 =	sld [smem:$0x0];
	_ =	sdelay $0x2  }
0xb8: {  	s31 =	sshll.u32 s1, $0xD;
	s1 =	sshrl.u32 s1, $0x2  }
0xb9: {  	s3 =	sand.u32 $0x4000, s31;
	s1 =	sadd.s32 s1, s30  }
0xba: {  	s0 =	sor.u32 s3, s0;
	s1 =	sshll.u32 s1, $0x11  }
0xbb: {  	s0 =	sor.u32 s1, s0  }
0xbc: {  	s0 =	sadd.s32 $0x8F2B, s0  }
0xbd: {  	[sflag:s0] =	ssyncadd.remote.s32 $0x1  }
0xbe: {  	_ =	sfence.sel $0xFFFF  }
0xbf: {  	[dreg:$0x0] =	wrdreg $0xFFFFFFFF;
	(pc) =	sbr.abs _section_cstart, $3  }
0xc0: {  	[dreg:$0x1] =	wrdreg $0xFFFFFFFF  }
0xc1: {  	_ =	task.clear_ibuf [dreg:s6], $0x2FFFF;
	_ =	strace $0x9FFFFFFF  }
0xc2: {  	(tm) =	ssettm $0x7FFFFFFF  }
0xc3: {  	_ =	shalt  }
tec
execute0_lowered:
.L_overlay_start_1:
0x0: {  	(tag) =	ssettag $0x1  }
0x1: {  	s5 =	rddreg [dreg:$0x0]  }
0x2: {  	s1 =	rddreg [dreg:$0x1]  }
0x3: {  	s0 =	rddreg [dreg:$0x2]  }
0x4: {  	s3 =	simm.s32 $0x0;
	s2 =	srdreg.scid;
	s15 =	simm.s32 $0x1400  }
0x5: {  	s16 =	simm.s32 $0x80;
	s17 =	simm.s32 $0x2800;
	s18 =	simm.s32 $0x6800  }
0x6: {  	s19 =	simm.s32 $0x1;
	s20 =	simm.s32 $0x2;
	s6 =	sand.u32 $0x1, s2  }
0x7: {  	s21 =	simm.s32 $0x2700;
	s2 =	stileid.u32;
	s7 =	smul.u32 $0x140000, s6  }
0x8: {  	s22 =	simm.s32 $0x2780;
	s23 =	simm.s32 $0x0;
	s8 =	smul.u32 $0x14000, s2  }
0x9: {  	[smem:$0x7FF] =	sst s3;
	s4 =	sadd.s32 $0x90600, s5;
	s9 =	smul.u32 $0x50000, s2  }
0xa: {  	s11 =	sadd.s32 $0x86600, s5;
	s25 =	ssub.s32 $0x2, s6;
	s6 =	smul.u32 $0x28000, s6  }
0xb: {  	s12 =	sadd.s32 $0x3E00, s5;
	_ =	strace $0x8000004A;
	s13 =	smul.u32 $0x2800, s2  }
0xc: {  	s29 =	sshll.u32 s2, $0x6;
	s10 =	sshrl.u32 s25, $0x1;
	s7 =	sadd.s32 s8, s7  }
0xd: {  	s8 =	ssub.s32 s25, s10;
	s26 =	sshrl.u32 s9, $0x2;
	s28 =	sadd.s32 s13, s6  }
0xe: {  	s6 =	sor.u32 $0x1C03, s29;
	s7 =	sshrl.u32 s7, $0x3;
	s14 =	sadd.s32 s26, s1  }
0xf: {  	s30 =	sshrl.u32 s28, $0x3;
	s8 =	smax.u32 s8, $0x1;
	s7 =	sadd.s32 s7, s5  }
0x10: {  	s5 =	sadd.s32 s4, s28;
	s31 =	sadd.s32 $0x280, s30;
	s9 =	sadd.s32 s11, s30  }
0x11: {  	s10 =	sadd.s32 s12, s30;
	s13 =	sshrl.u32 s14, $0x3;
	s14 =	simm.s32 $0x3  }
0x12: {  	s7 =	sadd.s32 $0xE0600, s7;
	s11 =	sadd.s32 s11, s31;
	s12 =	sadd.s32 s12, s31  }
.LBB2_1:
0x13: {  	[spmem:s13], [sflag:s6] =	dma.local [hbm:s5], $0x2800  }
0x14: {  	_ =	swait.ge [sflag:s14], $0x2800  }
0x15: {  	[sflag:s14] =	ssyncset.done $0x0  }
0x16: {  	[sflag:s14] =	ssyncadd.s32 $0xFFFFD800  }
0x17: {  	[bflag:$0x0] =	sbarrier.arrive $0xFFFF  }
0x18: {  	[tilespmem:s3], [sflag:$0x3] =	stream.linear.gather [hbm4b:s9+s3], $0x1400, $0x38;
	[tilespmem:$0x1E800] =	vst v63  }
0x19: {  	_ =	swait.ge [sflag:s14], $0x1400  }
0x1a: {  	[sflag:s14] =	ssyncset.done $0x0  }
0x1b: {  	[sflag:s14] =	ssyncadd.s32 $0xFFFFEC00  }
0x1c: {  	[tilespmem:s15], [sflag:$0x3] =	stream.linear.gather [hbm4b:s10+s3], $0x1400, $0x38;
	[tilespmem:$0x1E800] =	vst v63  }
0x1d: {  	_ =	swait.ge [sflag:s14], $0x1400  }
0x1e: {  	[sflag:s14] =	ssyncset.done $0x0  }
0x1f: {  	[sflag:s14] =	ssyncadd.s32 $0xFFFFEC00  }
0x20: {  	[tilespmem:s17], [sflag:$0x1] =	stream.indirect.gather [hbm4b:s4+s16], $0x80, s3, s16, $0xb8;
	[tilespmem:$0x1E800] =	vst v63  }
0x21: {  	_ = 	snop  }
0x22: {  	[tilespmem:s18], [sflag:$0x2] =	stream.indirect.gather [hbm4b:s4+s16], $0x80, s16, s16, $0xb8;
	[tilespmem:$0x1E800] =	vst v63  }
0x23: {  	_ =	swait.ge [sflag:s19], $0x4000  }
0x24: {  	[sflag:s19] =	ssyncset.done $0x0  }
0x25: {  	s24 =	simm.s32 $0x1400;
	[sflag:s19] =	ssyncadd.s32 $0xFFFFC000  }
0x26: {  	[spmem:s1] =	stream.indirect.scatter.add.f32 [tilespmem:s17], [sflag:$0x3], $0x80, s24, s16, $0xb8;
	[tilespmem:$0x1E800] =	vst v63  }
0x27: {  	_ =	swait.ge [sflag:s14], $0x4000  }
0x28: {  	[sflag:s14] =	ssyncset.done $0x0  }
0x29: {  	s30 =	simm.s32 $0x100;
	[sflag:s14] =	ssyncadd.s32 $0xFFFFC000  }
0x2a: {  	[tilespmem:s17], [sflag:$0x1] =	stream.indirect.gather [hbm4b:s4+s16], $0x80, s30, s16, $0xb8;
	[tilespmem:$0x1E800] =	vst v63  }
0x2b: {  	_ =	swait.ge [sflag:s20], $0x4000  }
0x2c: {  	[sflag:s20] =	ssyncset.done $0x0  }
0x2d: {  	s31 =	simm.s32 $0x1480;
	[sflag:s20] =	ssyncadd.s32 $0xFFFFC000  }
0x2e: {  	[spmem:s1] =	stream.indirect.scatter.add.f32 [tilespmem:s18], [sflag:$0x3], $0x80, s31, s16, $0xb8;
	[tilespmem:$0x1E800] =	vst v63  }
0x2f: {  	_ =	swait.ge [sflag:s14], $0x4000  }
0x30: {  	[sflag:s14] =	ssyncset.done $0x0  }
0x31: {  	s25 =	simm.s32 $0x180;
	s24 =	simm.s32 $0x400;
	[sflag:s14] =	ssyncadd.s32 $0xFFFFC000  }
.LBB2_2:
0x32: {  	[tilespmem:s18], [sflag:$0x2] =	stream.indirect.gather [hbm4b:s4+s16], $0x80, s25, s16, $0xb8;
	[tilespmem:$0x1E800] =	vst v63  }
0x33: {  	s25 =	smov.u32 s24  }
0x34: {  	p0 =	sne.s32 s24, $0x4800;
	s24 =	sadd.s32 $0x400, s24;
	_ =	swait.ge [sflag:s19], $0x4000  }
0x35: {  	s25 =	sshra.s32 s25, $0x2;
	[sflag:s19] =	ssyncset.done $0x0  }
0x36: {  	s26 =	sadd.s32 $0x1400, s25;
	[sflag:s19] =	ssyncadd.s32 $0xFFFFC000  }
0x37: {  	[spmem:s1] =	stream.indirect.scatter.add.f32 [tilespmem:s17], [sflag:$0x3], $0x80, s26, s16, $0xb8;
	[tilespmem:$0x1E800] =	vst v63  }
0x38: {  	_ =	swait.ge [sflag:s14], $0x4000  }
0x39: {  	[sflag:s14] =	ssyncset.done $0x0  }
0x3a: {  	s26 =	sadd.s32 $0x100, s25;
	[sflag:s14] =	ssyncadd.s32 $0xFFFFC000  }
0x3b: {  	[tilespmem:s17], [sflag:$0x1] =	stream.indirect.gather [hbm4b:s4+s16], $0x80, s26, s16, $0xb8;
	[tilespmem:$0x1E800] =	vst v63  }
0x3c: {  	_ =	swait.ge [sflag:s20], $0x4000  }
0x3d: {  	[sflag:s20] =	ssyncset.done $0x0  }
.Ltmp0:
0x3e: {  	s26 =	sadd.s32 $0x1480, s25;
	[sflag:s20] =	ssyncadd.s32 $0xFFFFC000;
	(pc) =	sbr.rel @p0 .LBB2_2-.Ltmp0, $4  }
0x3f: {  	[spmem:s1] =	stream.indirect.scatter.add.f32 [tilespmem:s18], [sflag:$0x3], $0x80, s26, s16, $0xb8;
	[tilespmem:$0x1E800] =	vst v63  }
0x40: {  	_ =	swait.ge [sflag:s14], $0x4000  }
0x41: {  	[sflag:s14] =	ssyncset.done $0x0  }
0x42: {  	s25 =	sadd.s32 $0x180, s25;
	[sflag:s14] =	ssyncadd.s32 $0xFFFFC000  }
0x43: {  	[tilespmem:s18], [sflag:$0x2] =	stream.indirect.gather [hbm4b:s4+s16], $0x80, s25, s16, $0xb8;
	[tilespmem:$0x1E800] =	vst v63  }
0x44: {  	_ =	swait.ge [sflag:s19], $0x4000  }
0x45: {  	[sflag:s19] =	ssyncset.done $0x0  }
0x46: {  	[sflag:s19] =	ssyncadd.s32 $0xFFFFC000  }
0x47: {  	[spmem:s1] =	stream.indirect.scatter.add.f32 [tilespmem:s17], [sflag:$0x3], $0x80, s21, s16, $0xb8;
	[tilespmem:$0x1E800] =	vst v63  }
0x48: {  	_ =	swait.ge [sflag:s14], $0x4000  }
0x49: {  	[sflag:s14] =	ssyncset.done $0x0  }
0x4a: {  	[sflag:s14] =	ssyncadd.s32 $0xFFFFC000  }
0x4b: {  	_ =	swait.ge [sflag:s20], $0x4000  }
0x4c: {  	[sflag:s20] =	ssyncset.done $0x0  }
0x4d: {  	[sflag:s20] =	ssyncadd.s32 $0xFFFFC000  }
0x4e: {  	[spmem:s1] =	stream.indirect.scatter.add.f32 [tilespmem:s18], [sflag:$0x3], $0x80, s22, s16, $0xb8;
	[tilespmem:$0x1E800] =	vst v63  }
0x4f: {  	_ =	swait.ge [sflag:s14], $0x4000  }
0x50: {  	[sflag:s14] =	ssyncset.done $0x0  }
0x51: {  	s24 =	simm.s32 $0x0;
	[sflag:s14] =	ssyncadd.s32 $0xFFFFC000  }
0x52: {  	[tilespmem:s24], [sflag:$0x3] =	stream.linear.gather [hbm4b:s11+s24], $0x1400, $0x38;
	[tilespmem:$0x1E800] =	vst v63  }
0x53: {  	_ =	swait.ge [sflag:s14], $0x1400  }
0x54: {  	[sflag:s14] =	ssyncset.done $0x0  }
0x55: {  	[sflag:s14] =	ssyncadd.s32 $0xFFFFEC00  }
0x56: {  	[tilespmem:s15], [sflag:$0x3] =	stream.linear.gather [hbm4b:s12+s24], $0x1400, $0x38;
	[tilespmem:$0x1E800] =	vst v63  }
0x57: {  	_ =	swait.ge [sflag:s14], $0x1400  }
0x58: {  	[sflag:s14] =	ssyncset.done $0x0  }
0x59: {  	[sflag:s14] =	ssyncadd.s32 $0xFFFFEC00  }
0x5a: {  	[tilespmem:s17], [sflag:$0x1] =	stream.indirect.gather [hbm4b:s4+s16], $0x80, s24, s16, $0xb8;
	[tilespmem:$0x1E800] =	vst v63  }
0x5b: {  	_ = 	snop  }
0x5c: {  	[tilespmem:s18], [sflag:$0x2] =	stream.indirect.gather [hbm4b:s4+s16], $0x80, s16, s16, $0xb8;
	[tilespmem:$0x1E800] =	vst v63  }
0x5d: {  	_ =	swait.ge [sflag:s19], $0x4000  }
0x5e: {  	[sflag:s19] =	ssyncset.done $0x0  }
0x5f: {  	s29 =	simm.s32 $0x1400;
	[sflag:s19] =	ssyncadd.s32 $0xFFFFC000  }
0x60: {  	[spmem:s1] =	stream.indirect.scatter.add.f32 [tilespmem:s17], [sflag:$0x3], $0x80, s29, s16, $0xb8;
	[tilespmem:$0x1E800] =	vst v63  }
0x61: {  	_ =	swait.ge [sflag:s14], $0x4000  }
0x62: {  	[sflag:s14] =	ssyncset.done $0x0  }
0x63: {  	s30 =	simm.s32 $0x100;
	[sflag:s14] =	ssyncadd.s32 $0xFFFFC000  }
0x64: {  	[tilespmem:s17], [sflag:$0x1] =	stream.indirect.gather [hbm4b:s4+s16], $0x80, s30, s16, $0xb8;
	[tilespmem:$0x1E800] =	vst v63  }
0x65: {  	_ =	swait.ge [sflag:s20], $0x4000  }
0x66: {  	[sflag:s20] =	ssyncset.done $0x0  }
0x67: {  	s31 =	simm.s32 $0x1480;
	[sflag:s20] =	ssyncadd.s32 $0xFFFFC000  }
0x68: {  	[spmem:s1] =	stream.indirect.scatter.add.f32 [tilespmem:s18], [sflag:$0x3], $0x80, s31, s16, $0xb8;
	[tilespmem:$0x1E800] =	vst v63  }
0x69: {  	_ =	swait.ge [sflag:s14], $0x4000  }
0x6a: {  	[sflag:s14] =	ssyncset.done $0x0  }
0x6b: {  	s25 =	simm.s32 $0x180;
	s24 =	simm.s32 $0x400;
	[sflag:s14] =	ssyncadd.s32 $0xFFFFC000  }
.LBB2_4:
0x6c: {  	[tilespmem:s18], [sflag:$0x2] =	stream.indirect.gather [hbm4b:s4+s16], $0x80, s25, s16, $0xb8;
	[tilespmem:$0x1E800] =	vst v63  }
0x6d: {  	s25 =	smov.u32 s24  }
0x6e: {  	p0 =	sne.s32 s24, $0x4800;
	s24 =	sadd.s32 $0x400, s24;
	_ =	swait.ge [sflag:s19], $0x4000  }
0x6f: {  	s25 =	sshra.s32 s25, $0x2;
	[sflag:s19] =	ssyncset.done $0x0  }
0x70: {  	s26 =	sadd.s32 $0x1400, s25;
	[sflag:s19] =	ssyncadd.s32 $0xFFFFC000  }
0x71: {  	[spmem:s1] =	stream.indirect.scatter.add.f32 [tilespmem:s17], [sflag:$0x3], $0x80, s26, s16, $0xb8;
	[tilespmem:$0x1E800] =	vst v63  }
0x72: {  	_ =	swait.ge [sflag:s14], $0x4000  }
0x73: {  	[sflag:s14] =	ssyncset.done $0x0  }
0x74: {  	s26 =	sadd.s32 $0x100, s25;
	[sflag:s14] =	ssyncadd.s32 $0xFFFFC000  }
0x75: {  	[tilespmem:s17], [sflag:$0x1] =	stream.indirect.gather [hbm4b:s4+s16], $0x80, s26, s16, $0xb8;
	[tilespmem:$0x1E800] =	vst v63  }
0x76: {  	_ =	swait.ge [sflag:s20], $0x4000  }
0x77: {  	[sflag:s20] =	ssyncset.done $0x0  }
.Ltmp1:
0x78: {  	s26 =	sadd.s32 $0x1480, s25;
	[sflag:s20] =	ssyncadd.s32 $0xFFFFC000;
	(pc) =	sbr.rel @p0 .LBB2_4-.Ltmp1, $4  }
0x79: {  	[spmem:s1] =	stream.indirect.scatter.add.f32 [tilespmem:s18], [sflag:$0x3], $0x80, s26, s16, $0xb8;
	[tilespmem:$0x1E800] =	vst v63  }
0x7a: {  	_ =	swait.ge [sflag:s14], $0x4000  }
0x7b: {  	[sflag:s14] =	ssyncset.done $0x0  }
0x7c: {  	s25 =	sadd.s32 $0x180, s25;
	[sflag:s14] =	ssyncadd.s32 $0xFFFFC000  }
0x7d: {  	[tilespmem:s18], [sflag:$0x2] =	stream.indirect.gather [hbm4b:s4+s16], $0x80, s25, s16, $0xb8;
	[tilespmem:$0x1E800] =	vst v63  }
0x7e: {  	_ =	swait.ge [sflag:s19], $0x4000  }
0x7f: {  	[sflag:s19] =	ssyncset.done $0x0  }
0x80: {  	[sflag:s19] =	ssyncadd.s32 $0xFFFFC000  }
0x81: {  	[spmem:s1] =	stream.indirect.scatter.add.f32 [tilespmem:s17], [sflag:$0x3], $0x80, s21, s16, $0xb8;
	[tilespmem:$0x1E800] =	vst v63  }
0x82: {  	_ =	swait.ge [sflag:s14], $0x4000  }
0x83: {  	[sflag:s14] =	ssyncset.done $0x0  }
0x84: {  	[sflag:s14] =	ssyncadd.s32 $0xFFFFC000  }
0x85: {  	_ =	swait.ge [sflag:s20], $0x4000  }
0x86: {  	[sflag:s20] =	ssyncset.done $0x0  }
0x87: {  	[sflag:s20] =	ssyncadd.s32 $0xFFFFC000  }
0x88: {  	[spmem:s1] =	stream.indirect.scatter.add.f32 [tilespmem:s18], [sflag:$0x3], $0x80, s22, s16, $0xb8;
	[tilespmem:$0x1E800] =	vst v63  }
0x89: {  	_ =	swait.ge [sflag:s14], $0x4000  }
0x8a: {  	s23 =	sadd.s32 $0x1, s23;
	[sflag:s14] =	ssyncset.done $0x0  }
0x8b: {  	p0 =	sne.s32 s23, s8;
	[sflag:s14] =	ssyncadd.s32 $0xFFFFC000  }
.Ltmp2:
0x8c: {  	[bflag:$0x0] =	sbarrier.arrive $0xFFFF;
	(pc) =	sbr.rel @p0 .LBB2_1-.Ltmp2, $4  }
0x8d: {  	[hbm:s7], [sflag:s6] =	dma.local [spmem:s13], $0x2800  }
0x8e: {  	_ =	swait.ge [sflag:s14], $0x2800  }
0x8f: {  	[sflag:s14] =	ssyncset.done $0x0  }
0x90: {  	[sflag:s14] =	ssyncadd.s32 $0xFFFFD800  }
0x91: {  	_ =	sfence.sel $0x180000  }
0x92: {  	[bflag:$0x0] =	sbarrier.arrive $0xFFFF  }
0x93: {  	p0 =	sne.s32 s2, $0x0;
	_ =	strace $0x9000004A  }
0x94: {  	s0 =	sadd.s32 @!p0 $0x100000, s0;
	[bflag:$0x2] =	sbarrier.arrive $0xFFFF  }
0x95: {  	[sflag:s0] =	ssyncadd.tile.s32 @!p0 $0x1;
	_ =	shalt  }
.Lfunc_end2:
_tile_overlayer_lowered:
.L_overlay_start_2:
0x96: {  	(tag) =	ssettag $0x2  }
0x97: {  	s0 =	rddreg [dreg:$0x0];
	s2 =	stileid.u32  }
0x98: {  	s1 =	rddreg [dreg:$0x1];
	p0 =	sne.s32 s2, $0x0  }
0x99: {  	s3 =	rddreg [dreg:$0x2];
	[bflag:$0x3] =	sbarrier.arrive $0xFFFF;
	s2 =	simm.s32 @!p0 $0x1C03  }
0x9a: {  	[timem:s3], [sflag:s2] =	dma.local @!p0 [hbm:s0], s1  }
0x9b: {  	s0 =	simm.s32 @!p0 $0x3  }
0x9c: {  	_ =	swait.ge @!p0 [sflag:s0], s1  }
0x9d: {  	s1 =	ssub.s32 @!p0 $0x0, s1;
	[sflag:s0] =	ssyncset.done @!p0 $0x0  }
0x9e: {  	[sflag:s0] =	ssyncadd.s32 @!p0 s1  }
0x9f: {  	[bflag:$0x3] =	sbarrier.arrive $0xFFFF  }
0xa0: {  	_ =	shalt  }

// kernel: kernel.16.cloned.1.call-start
scs
__scs_entry_jumppad:
0x0: {  	(pc) =	sbr.rel $0x88, $3  }
0x1: {  	(tag) =	ssettag $0x0;
	lr =	simm.s32 $0x1  }
0x2: {  	[smem:$0x3F95] =	sst lr;
	_ =	strace $0xD0000000  }
0x3: {  	_ = 	snop  }
0x4: {  	_ = 	snop  }
0x5: {  	_ = 	snop  }
0x6: {  	_ = 	snop  }
0x7: {  	_ = 	snop  }
__scs_overlays_trampoline_lowered:
0x8: {  	[smem:$0x3FA4] =	sst s0  }
0x9: {  	[smem:$0x3FA5] =	sst s1  }
0xa: {  	[smem:$0x3FA6] =	sst s2  }
0xb: {  	[smem:$0x3FA7] =	sst s3  }
0xc: {  	[smem:$0x3FA8] =	sst s4  }
0xd: {  	[smem:$0x3FA9] =	sst s5  }
0xe: {  	[smem:$0x3FAA] =	sst s6  }
0xf: {  	[smem:$0x3FAB] =	sst s7  }
0x10: {  	[smem:$0x3FAC] =	sst s8  }
0x11: {  	[smem:$0x3FAD] =	sst s9;
	s0 =	simm.s32 @!p0 $0x0  }
0x12: {  	s1 =	sld [smem:$0x3F93];
	s0 =	simm.s32 @p0 $0x1  }
0x13: {  	[smem:$0x3FAE] =	sst s0;
	s0 =	simm.s32 @!p1 $0x0  }
0x14: {  	s2 =	sld [smem:$0x3F92];
	s0 =	simm.s32 @p1 $0x1  }
0x15: {  	[smem:$0x3FAF] =	sst s0;
	s0 =	simm.s32 @!p2 $0x0  }
0x16: {  	s3 =	sld [smem:$0x3FDB];
	s0 =	simm.s32 @p2 $0x1  }
0x17: {  	s4 =	simm.s32 $0x1BF5;
	[smem:$0x3FB1] =	sst s0  }
0x18: {  	s0 =	sld [smem:$0x3F94];
	_ =	swait.ge [sflag:s4], $0x0  }
0x19: {  	s7 =	sld [smem:$0x3F95]  }
0x1a: {  	s8 =	sadd.s32 $0xFFFFE003, lr  }
0x1b: {  	s9 =	sadd.s32 $0xFFFFFEF7, lr;
	s5 =	simm.s32 $0xFFFFFFFF;
	p2 =	slt.u32 s8, $0xFFFFF086  }
0x1c: {  	p1 =	slt.u32 s9, $0xF7A;
	s5 =	simm.s32 @!p2 $0x0  }
0x1d: {  	s5 =	simm.s32 @p1 $0x1;
	p0 =	seq.s32 s7, s2  }
0x1e: {  	s7 =	smul.u32 @!p0 $0xF7A, s2;
	p2 =	seq.s32 @!p0 s5, $0x0  }
0x1f: {  	s9 =	smul.u32 $0xF7A, s1;
	s8 =	simm.s32 @!p0 $0x1BF5;
	p2 =	por !p2, p0  }
0x20: {  	[sflag:s8] =	ssyncset.s32 @!p0 $0xFFFFF086;
	s6 =	sadd.s32 @!p0 s3, s7;
	s7 =	simm.s32 @!p0 $0x108  }
0x21: {  	s3 =	sadd.s32 s3, s9;
	s6 =	sadd.s32 @!p0 $0x88, s6;
	s7 =	simm.s32 @p2 $0x1082  }
0x22: {  	[simem:s7], [sflag:s8] =	dma.local @!p0 [hbm:s6], $0xF7A  }
0x23: {  	s9 =	sor.u32 $0xD0000000, s2;
	s6 =	simm.s32 $0x108;
	_ =	swait.ge @!p0 [sflag:s8], $0x0  }
0x24: {  	s3 =	sadd.s32 $0x88, s3;
	s6 =	simm.s32 @!p1 $0x1082;
	[sflag:s4] =	ssyncset.s32 $0xFFFFF086  }
0x25: {  	[simem:s6], [sflag:s4] =	dma.local [hbm:s3], $0xF7A  }
0x26: {  	[smem:$0x3F95] =	sst s1;
	(tag) =	ssettag s2;
	_ =	strace s9  }
0x27: {  	s1 =	sld [smem:$0x3FA5]  }
0x28: {  	s2 =	sld [smem:$0x3FA6]  }
0x29: {  	s4 =	sld [smem:$0x3FA8]  }
0x2a: {  	p0 =	seq.s32 s5, $0x0;
	s5 =	sld [smem:$0x3FA9]  }
0x2b: {  	s6 =	sld [smem:$0x3FAA]  }
0x2c: {  	s7 =	sld [smem:$0x3FAB]  }
0x2d: {  	s3 =	simm.s32 $0x108;
	s8 =	sld [smem:$0x3FAC]  }
0x2e: {  	s3 =	simm.s32 @!p0 $0x1082;
	s9 =	sld [smem:$0x3FAD]  }
0x2f: {  	lr =	sadd.s32 s0, s3;
	s0 =	sld [smem:$0x3FA4]  }
0x30: {  	s3 =	sld [smem:$0x3FA7]  }
0x31: {  	[smem:$0x3FB0] =	sst s10  }
0x32: {  	s10 =	sld [smem:$0x3FAE];
	_ =	sdelay $0x3  }
0x33: {  	p0 =	seq.s32 s10, $0x1;
	s10 =	sld [smem:$0x3FB0];
	_ =	sdelay $0x3  }
0x34: {  	[smem:$0x3FB0] =	sst s10  }
0x35: {  	s10 =	sld [smem:$0x3FAF];
	_ =	sdelay $0x3  }
0x36: {  	p1 =	seq.s32 s10, $0x1;
	s10 =	sld [smem:$0x3FB0];
	_ =	sdelay $0x3  }
0x37: {  	[smem:$0x3FB0] =	sst s10  }
0x38: {  	s10 =	sld [smem:$0x3FB1]  }
0x39: {  	_ = 	snop;
	(pc) =	sbr.ind lr, $3  }
0x3a: {  	_ = 	snop  }
0x3b: {  	_ = 	snop  }
0x3c: {  	p2 =	seq.s32 s10, $0x1;
	s10 =	sld [smem:$0x3FB0]  }
0x3d: {  	_ =	shalt  }
0x3e: {  	_ =	shalt  }
0x3f: {  	_ =	shalt  }
0x40: {  	_ =	shalt  }
0x41: {  	_ =	shalt  }
0x42: {  	_ =	shalt  }
0x43: {  	_ =	shalt  }
0x44: {  	_ =	shalt  }
0x45: {  	_ =	shalt  }
0x46: {  	_ =	shalt  }
0x47: {  	_ =	shalt  }
0x48: {  	_ =	shalt  }
0x49: {  	_ =	shalt  }
0x4a: {  	_ =	shalt  }
0x4b: {  	_ =	shalt  }
0x4c: {  	_ =	shalt  }
0x4d: {  	_ =	shalt  }
0x4e: {  	_ =	shalt  }
0x4f: {  	_ =	shalt  }
0x50: {  	_ =	shalt  }
0x51: {  	_ =	shalt  }
0x52: {  	_ =	shalt  }
0x53: {  	_ =	shalt  }
0x54: {  	_ =	shalt  }
0x55: {  	_ =	shalt  }
0x56: {  	_ =	shalt  }
0x57: {  	_ =	shalt  }
0x58: {  	_ =	shalt  }
0x59: {  	_ =	shalt  }
0x5a: {  	_ =	shalt  }
0x5b: {  	_ =	shalt  }
0x5c: {  	_ =	shalt  }
0x5d: {  	_ =	shalt  }
0x5e: {  	_ =	shalt  }
0x5f: {  	_ =	shalt  }
0x60: {  	_ =	shalt  }
0x61: {  	_ =	shalt  }
0x62: {  	_ =	shalt  }
0x63: {  	_ =	shalt  }
0x64: {  	_ =	shalt  }
0x65: {  	_ =	shalt  }
0x66: {  	_ =	shalt  }
0x67: {  	_ =	shalt  }
0x68: {  	_ =	shalt  }
0x69: {  	_ =	shalt  }
0x6a: {  	_ =	shalt  }
0x6b: {  	_ =	shalt  }
0x6c: {  	_ =	shalt  }
0x6d: {  	_ =	shalt  }
0x6e: {  	_ =	shalt  }
0x6f: {  	_ =	shalt  }
0x70: {  	_ =	shalt  }
0x71: {  	_ =	shalt  }
0x72: {  	_ =	shalt  }
0x73: {  	_ =	shalt  }
0x74: {  	_ =	shalt  }
0x75: {  	_ =	shalt  }
0x76: {  	_ =	shalt  }
0x77: {  	_ =	shalt  }
0x78: {  	_ =	shalt  }
0x79: {  	_ =	shalt  }
0x7a: {  	_ =	shalt  }
0x7b: {  	_ =	shalt  }
0x7c: {  	_ =	shalt  }
0x7d: {  	_ =	shalt  }
0x7e: {  	_ =	shalt  }
0x7f: {  	_ =	shalt  }
0x80: {  	_ =	shalt  }
0x81: {  	_ =	shalt  }
0x82: {  	_ =	shalt  }
0x83: {  	_ =	shalt  }
0x84: {  	_ =	shalt  }
0x85: {  	_ =	shalt  }
0x86: {  	_ =	shalt  }
0x87: {  	_ =	shalt  }
.Lfunc_end0:
.L_simem_size_0:
called_computation.2_lowered:
.L_overlay_start_0:
0x88: {  	s2 =	sld [smem:$0x3FD9]  }
0x89: {  	s3 =	sld [smem:$0x3FFE];
	_ =	sdelay $0x1  }
0x8a: {  	s1 =	srdreg.scid  }
0x8b: {  	s0 =	sand.u32 $0x1, s1  }
0x8c: {  	s16 =	sshll.u32 s0, $0xA;
	s2 =	sadd.s32 s3, s2  }
0x8d: {  	s2 =	sadd.s32 s2, s16  }
0x8e: {  	[smem:$0x3FBC] =	sst s2  }
0x8f: {  	_ = 	snop  }
0x90: {  	(tm) =	ssettm $0x1  }
0x91: {  	s17 =	sld [smem:$0x3FFB];
	_ =	sdelay $0x3  }
0x92: {  	_ =	strace s17  }
0x93: {  	s2 =	sld [smem:$0x3FFC];
	_ =	sdelay $0x3  }
0x94: {  	_ =	strace s2  }
0x95: {  	s2 =	sld [smem:$0x3FFD];
	_ =	sdelay $0x3  }
0x96: {  	_ =	strace s2  }
0x97: {  	_ =	strace $0x8FFFFFFF  }
0x98: {  	s18 =	sld [smem:$0x3FDB];
	_ =	sdelay $0x1  }
0x99: {  	s19 =	simm.s32 $_scs_section_size  }
0x9a: {  	s4 =	simm.s32 $_size__tile_overlayer_lowered;
	s5 =	simm.s32 $_tile_overlayer_lowered  }
0x9b: {  	s22 =	simm.s32 $0x1BFF;
	s21 =	sshll.u32 s5, $0x1;
	s2 =	sadd.s32 s19, s18  }
0x9c: {  	s6 =	simm.s32 $0x0;
	s20 =	sshll.u32 s4, $0x1;
	s4 =	sadd.s32 s21, s2  }
0x9d: {  	[timem:s6], [sflag:s22] =	dma.local [hbm:s4], s20  }
0x9e: {  	_ =	swait.ge [sflag:s22], s20  }
0x9f: {  	s3 =	ssub.s32 $0x0, s20;
	[sflag:s22] =	ssyncset.done $0x0  }
0xa0: {  	[sflag:s22] =	ssyncadd.s32 s3;
	_ =	sdelay $0x1  }
0xa1: {  	s23 =	simm.s32 $0x1B8B  }
0xa2: {  	_ =	swait.ge [sflag:s23], $0x1  }
0xa3: {  	[sflag:s23] =	ssyncset.done $0x0  }
0xa4: {  	s25 =	simm.s32 $0x1B8E;
	s24 =	sld [smem:$0x3FFE];
	[sflag:s23] =	ssyncadd.s32 $0xFFFFFFFF  }
0xa5: {  	s26 =	simm.s32 $execute0_lowered;
	[smem:$0x3FD2] =	sst s25  }
0xa6: {  	s4 =	sshll.u32 s26, $0x1;
	_ =	strace $0x8000004C;
	[dreg:$0x1] =	wrdreg $0xFFFFFFFF  }
0xa7: {  	s28 =	simm.s32 $_size_execute0_lowered;
	s2 =	sadd.s32 s2, s4;
	[dreg:$0x0] =	wrdreg $0x0  }
0xa8: {  	s4 =	sshll.u32 s28, $0x1;
	[dreg:$0x2] =	wrdreg s2  }
0xa9: {  	[dreg:$0x3] =	wrdreg s4  }
0xaa: {  	[dreg:$0x4] =	wrdreg $0xC0  }
0xab: {  	_ =	task [dreg:s6], $0x5FFFF  }
0xac: {  	[dreg:$0x1] =	wrdreg $0xFFFFFFFF  }
0xad: {  	[dreg:$0x0] =	wrdreg $0x60  }
0xae: {  	[dreg:$0x2] =	wrdreg s24  }
0xaf: {  	[dreg:$0x3] =	wrdreg $0xA8000  }
0xb0: {  	[dreg:$0x4] =	wrdreg $0x9  }
0xb1: {  	_ =	task.clear_ibuf [dreg:s6], $0x5FFFF;
	_ =	strace $0x9000004C  }
0xb2: {  	s29 =	simm.s32 $0x9;
	_ =	strace $0x8000004E  }
0xb3: {  	_ =	swait.ge [sflag:s29], $0x1  }
0xb4: {  	[sflag:s29] =	ssyncadd.s32 $0xFFFFFFFF  }
0xb5: {  	_ =	strace $0x9000004E  }
0xb6: {  	_ =	sfence  }
0xb7: {  	s30 =	sld [smem:$0x0];
	_ =	sdelay $0x2  }
0xb8: {  	s31 =	sshll.u32 s1, $0xD;
	s1 =	sshrl.u32 s1, $0x2  }
0xb9: {  	s3 =	sand.u32 $0x4000, s31;
	s1 =	sadd.s32 s1, s30  }
0xba: {  	s0 =	sor.u32 s3, s0;
	s1 =	sshll.u32 s1, $0x11  }
0xbb: {  	s0 =	sor.u32 s1, s0  }
0xbc: {  	s0 =	sadd.s32 $0x8F2B, s0  }
0xbd: {  	[sflag:s0] =	ssyncadd.remote.s32 $0x1  }
0xbe: {  	_ =	sfence.sel $0xFFFF  }
0xbf: {  	[dreg:$0x0] =	wrdreg $0xFFFFFFFF;
	(pc) =	sbr.abs _section_cstart, $3  }
0xc0: {  	[dreg:$0x1] =	wrdreg $0xFFFFFFFF  }
0xc1: {  	_ =	task.clear_ibuf [dreg:s6], $0x2FFFF;
	_ =	strace $0x9FFFFFFF  }
0xc2: {  	(tm) =	ssettm $0x7FFFFFFF  }
0xc3: {  	_ =	shalt  }
tec
execute0_lowered:
.L_overlay_start_1:
0x0: {  	(tag) =	ssettag $0x1  }
0x1: {  	s7 =	rddreg [dreg:$0x0]  }
0x2: {  	s1 =	rddreg [dreg:$0x1]  }
0x3: {  	s0 =	rddreg [dreg:$0x2];
	s3 =	simm.s32 $0x0;
	s2 =	srdreg.scid  }
0x4: {  	s16 =	simm.s32 $0x2800;
	s17 =	simm.s32 $0x6800;
	s8 =	sand.u32 $0x1, s2  }
0x5: {  	s18 =	simm.s32 $0x1;
	s2 =	stileid.u32;
	s9 =	smul.u32 $0x140000, s8  }
0x6: {  	s19 =	simm.s32 $0x2;
	s20 =	simm.s32 $0x2700;
	s10 =	smul.u32 $0x14000, s2  }
0x7: {  	s21 =	simm.s32 $0x2780;
	[smem:$0x7FF] =	sst s3;
	s11 =	smul.u32 $0x50000, s2  }
0x8: {  	s4 =	sadd.s32 $0x86600, s7;
	s5 =	sadd.s32 $0xDE00, s7;
	s24 =	smul.u32 $0x28000, s8  }
0x9: {  	s6 =	sadd.s32 $0x21E00, s7;
	_ =	strace $0x8000004D;
	s13 =	smul.u32 $0x2800, s2  }
0xa: {  	s12 =	ssub.s32 $0x2, s8;
	s26 =	smul.u32 $0x50000, s8;
	s31 =	sshll.u32 s2, $0x6  }
0xb: {  	s29 =	smul.u32 $0x5000, s2;
	s25 =	sshrl.u32 s12, $0x1;
	s8 =	sor.u32 $0x1C03, s31  }
0xc: {  	s9 =	sadd.s32 s10, s9;
	s12 =	ssub.s32 s12, s25;
	s28 =	sshrl.u32 s11, $0x2  }
0xd: {  	s30 =	sadd.s32 s13, s24;
	s13 =	simm.s32 $0x3;
	s9 =	sshrl.u32 s9, $0x3  }
0xe: {  	s15 =	sadd.s32 s28, s1;
	s11 =	smax.u32 s12, $0x1;
	s14 =	sadd.s32 s9, s7  }
0xf: {  	s7 =	sadd.s32 s4, s30;
	s9 =	sadd.s32 s29, s26;
	s12 =	sshrl.u32 s15, $0x3  }
0x10: {  	s15 =	simm.s32 $0x80;
	s10 =	sadd.s32 $0xD6600, s14;
	s14 =	simm.s32 $0x1400  }
.LBB2_1:
0x11: {  	[spmem:s12], [sflag:s8] =	dma.local [hbm:s7], $0x2800  }
0x12: {  	_ =	swait.ge [sflag:s13], $0x2800  }
0x13: {  	[sflag:s13] =	ssyncset.done $0x0  }
0x14: {  	[sflag:s13] =	ssyncadd.s32 $0xFFFFD800  }
0x15: {  	s22 =	simm.s32 $0x0;
	[bflag:$0x0] =	sbarrier.arrive $0xFFFF  }
.LBB2_2:
0x16: {  	s23 =	smul.u32 $0x1400, s22;
	_ =	sdelay $0x1  }
0x17: {  	s23 =	sadd.s32 s23, s9  }
0x18: {  	s23 =	sshrl.u32 s23, $0x3  }
0x19: {  	s25 =	simm.s32 $0x0;
	s24 =	sadd.s32 s5, s23  }
0x1a: {  	[tilespmem:s25], [sflag:$0x3] =	stream.linear.gather [hbm4b:s24+s25], $0x1400, $0x38;
	[tilespmem:$0x1E800] =	vst v63  }
0x1b: {  	_ =	swait.ge [sflag:s13], $0x1400  }
0x1c: {  	[sflag:s13] =	ssyncset.done $0x0  }
0x1d: {  	s23 =	sadd.s32 s6, s23;
	[sflag:s13] =	ssyncadd.s32 $0xFFFFEC00  }
0x1e: {  	[tilespmem:s14], [sflag:$0x3] =	stream.linear.gather [hbm4b:s23+s25], $0x1400, $0x38;
	[tilespmem:$0x1E800] =	vst v63  }
0x1f: {  	_ =	swait.ge [sflag:s13], $0x1400  }
0x20: {  	[sflag:s13] =	ssyncset.done $0x0  }
0x21: {  	[sflag:s13] =	ssyncadd.s32 $0xFFFFEC00  }
0x22: {  	[tilespmem:s16], [sflag:$0x1] =	stream.indirect.gather [hbm4b:s4+s15], $0x80, s25, s15, $0xb8;
	[tilespmem:$0x1E800] =	vst v63  }
0x23: {  	_ = 	snop  }
0x24: {  	[tilespmem:s17], [sflag:$0x2] =	stream.indirect.gather [hbm4b:s4+s15], $0x80, s15, s15, $0xb8;
	[tilespmem:$0x1E800] =	vst v63  }
0x25: {  	_ =	swait.ge [sflag:s18], $0x4000  }
0x26: {  	[sflag:s18] =	ssyncset.done $0x0  }
0x27: {  	s29 =	simm.s32 $0x1400;
	[sflag:s18] =	ssyncadd.s32 $0xFFFFC000  }
0x28: {  	[spmem:s1] =	stream.indirect.scatter.add.f32 [tilespmem:s16], [sflag:$0x3], $0x80, s29, s15, $0xb8;
	[tilespmem:$0x1E800] =	vst v63  }
0x29: {  	_ =	swait.ge [sflag:s13], $0x4000  }
0x2a: {  	[sflag:s13] =	ssyncset.done $0x0  }
0x2b: {  	s30 =	simm.s32 $0x100;
	[sflag:s13] =	ssyncadd.s32 $0xFFFFC000  }
0x2c: {  	[tilespmem:s16], [sflag:$0x1] =	stream.indirect.gather [hbm4b:s4+s15], $0x80, s30, s15, $0xb8;
	[tilespmem:$0x1E800] =	vst v63  }
0x2d: {  	_ =	swait.ge [sflag:s19], $0x4000  }
0x2e: {  	[sflag:s19] =	ssyncset.done $0x0  }
0x2f: {  	s31 =	simm.s32 $0x1480;
	[sflag:s19] =	ssyncadd.s32 $0xFFFFC000  }
0x30: {  	[spmem:s1] =	stream.indirect.scatter.add.f32 [tilespmem:s17], [sflag:$0x3], $0x80, s31, s15, $0xb8;
	[tilespmem:$0x1E800] =	vst v63  }
0x31: {  	_ =	swait.ge [sflag:s13], $0x4000  }
0x32: {  	[sflag:s13] =	ssyncset.done $0x0  }
0x33: {  	s24 =	simm.s32 $0x180;
	s23 =	simm.s32 $0x400;
	[sflag:s13] =	ssyncadd.s32 $0xFFFFC000  }
.LBB2_3:
0x34: {  	[tilespmem:s17], [sflag:$0x2] =	stream.indirect.gather [hbm4b:s4+s15], $0x80, s24, s15, $0xb8;
	[tilespmem:$0x1E800] =	vst v63  }
0x35: {  	s24 =	smov.u32 s23  }
0x36: {  	p0 =	sne.s32 s23, $0x4800;
	s23 =	sadd.s32 $0x400, s23;
	_ =	swait.ge [sflag:s18], $0x4000  }
0x37: {  	s24 =	sshra.s32 s24, $0x2;
	[sflag:s18] =	ssyncset.done $0x0  }
0x38: {  	s25 =	sadd.s32 $0x1400, s24;
	[sflag:s18] =	ssyncadd.s32 $0xFFFFC000  }
0x39: {  	[spmem:s1] =	stream.indirect.scatter.add.f32 [tilespmem:s16], [sflag:$0x3], $0x80, s25, s15, $0xb8;
	[tilespmem:$0x1E800] =	vst v63  }
0x3a: {  	_ =	swait.ge [sflag:s13], $0x4000  }
0x3b: {  	[sflag:s13] =	ssyncset.done $0x0  }
0x3c: {  	s25 =	sadd.s32 $0x100, s24;
	[sflag:s13] =	ssyncadd.s32 $0xFFFFC000  }
0x3d: {  	[tilespmem:s16], [sflag:$0x1] =	stream.indirect.gather [hbm4b:s4+s15], $0x80, s25, s15, $0xb8;
	[tilespmem:$0x1E800] =	vst v63  }
0x3e: {  	_ =	swait.ge [sflag:s19], $0x4000  }
0x3f: {  	[sflag:s19] =	ssyncset.done $0x0  }
.Ltmp0:
0x40: {  	s25 =	sadd.s32 $0x1480, s24;
	[sflag:s19] =	ssyncadd.s32 $0xFFFFC000;
	(pc) =	sbr.rel @p0 .LBB2_3-.Ltmp0, $4  }
0x41: {  	[spmem:s1] =	stream.indirect.scatter.add.f32 [tilespmem:s17], [sflag:$0x3], $0x80, s25, s15, $0xb8;
	[tilespmem:$0x1E800] =	vst v63  }
0x42: {  	_ =	swait.ge [sflag:s13], $0x4000  }
0x43: {  	[sflag:s13] =	ssyncset.done $0x0  }
0x44: {  	s24 =	sadd.s32 $0x180, s24;
	[sflag:s13] =	ssyncadd.s32 $0xFFFFC000  }
0x45: {  	[tilespmem:s17], [sflag:$0x2] =	stream.indirect.gather [hbm4b:s4+s15], $0x80, s24, s15, $0xb8;
	[tilespmem:$0x1E800] =	vst v63  }
0x46: {  	_ =	swait.ge [sflag:s18], $0x4000  }
0x47: {  	[sflag:s18] =	ssyncset.done $0x0  }
0x48: {  	[sflag:s18] =	ssyncadd.s32 $0xFFFFC000  }
0x49: {  	[spmem:s1] =	stream.indirect.scatter.add.f32 [tilespmem:s16], [sflag:$0x3], $0x80, s20, s15, $0xb8;
	[tilespmem:$0x1E800] =	vst v63  }
0x4a: {  	_ =	swait.ge [sflag:s13], $0x4000  }
0x4b: {  	[sflag:s13] =	ssyncset.done $0x0  }
0x4c: {  	[sflag:s13] =	ssyncadd.s32 $0xFFFFC000  }
0x4d: {  	s22 =	sadd.s32 $0x1, s22;
	_ =	swait.ge [sflag:s19], $0x4000  }
0x4e: {  	p0 =	sne.s32 s22, $0x4;
	[sflag:s19] =	ssyncset.done $0x0  }
.Ltmp1:
0x4f: {  	[sflag:s19] =	ssyncadd.s32 $0xFFFFC000;
	(pc) =	sbr.rel @p0 .LBB2_2-.Ltmp1, $4  }
0x50: {  	[spmem:s1] =	stream.indirect.scatter.add.f32 [tilespmem:s17], [sflag:$0x3], $0x80, s21, s15, $0xb8;
	[tilespmem:$0x1E800] =	vst v63  }
0x51: {  	_ =	swait.ge [sflag:s13], $0x4000  }
0x52: {  	[sflag:s13] =	ssyncset.done $0x0  }
0x53: {  	[sflag:s13] =	ssyncadd.s32 $0xFFFFC000  }
0x54: {  	s3 =	sadd.s32 $0x1, s3  }
0x55: {  	p0 =	sne.s32 s3, s11  }
.Ltmp2:
0x56: {  	[bflag:$0x0] =	sbarrier.arrive $0xFFFF;
	(pc) =	sbr.rel @p0 .LBB2_1-.Ltmp2, $4  }
0x57: {  	[hbm:s10], [sflag:s8] =	dma.local [spmem:s12], $0x2800  }
0x58: {  	_ =	swait.ge [sflag:s13], $0x2800  }
0x59: {  	[sflag:s13] =	ssyncset.done $0x0  }
0x5a: {  	[sflag:s13] =	ssyncadd.s32 $0xFFFFD800  }
0x5b: {  	_ =	sfence.sel $0x180000  }
0x5c: {  	[bflag:$0x0] =	sbarrier.arrive $0xFFFF  }
0x5d: {  	p0 =	sne.s32 s2, $0x0;
	_ =	strace $0x9000004D  }
0x5e: {  	s0 =	sadd.s32 @!p0 $0x100000, s0;
	[bflag:$0x2] =	sbarrier.arrive $0xFFFF  }
0x5f: {  	[sflag:s0] =	ssyncadd.tile.s32 @!p0 $0x1;
	_ =	shalt  }
.Lfunc_end2:
_tile_overlayer_lowered:
.L_overlay_start_2:
0x60: {  	(tag) =	ssettag $0x2  }
0x61: {  	s0 =	rddreg [dreg:$0x0];
	s2 =	stileid.u32  }
0x62: {  	s1 =	rddreg [dreg:$0x1];
	p0 =	sne.s32 s2, $0x0  }
0x63: {  	s3 =	rddreg [dreg:$0x2];
	[bflag:$0x3] =	sbarrier.arrive $0xFFFF;
	s2 =	simm.s32 @!p0 $0x1C03  }
0x64: {  	[timem:s3], [sflag:s2] =	dma.local @!p0 [hbm:s0], s1  }
0x65: {  	s0 =	simm.s32 @!p0 $0x3  }
0x66: {  	_ =	swait.ge @!p0 [sflag:s0], s1  }
0x67: {  	s1 =	ssub.s32 @!p0 $0x0, s1;
	[sflag:s0] =	ssyncset.done @!p0 $0x0  }
0x68: {  	[sflag:s0] =	ssyncadd.s32 @!p0 s1  }
0x69: {  	[bflag:$0x3] =	sbarrier.arrive $0xFFFF  }
0x6a: {  	_ =	shalt  }

// kernel: kernel.19.cloned.1.call-start
scs
__scs_entry_jumppad:
0x0: {  	(pc) =	sbr.rel $0x88, $3  }
0x1: {  	(tag) =	ssettag $0x0;
	lr =	simm.s32 $0x1  }
0x2: {  	[smem:$0x3F95] =	sst lr;
	_ =	strace $0xD0000000  }
0x3: {  	_ = 	snop  }
0x4: {  	_ = 	snop  }
0x5: {  	_ = 	snop  }
0x6: {  	_ = 	snop  }
0x7: {  	_ = 	snop  }
__scs_overlays_trampoline_lowered:
0x8: {  	[smem:$0x3FA4] =	sst s0  }
0x9: {  	[smem:$0x3FA5] =	sst s1  }
0xa: {  	[smem:$0x3FA6] =	sst s2  }
0xb: {  	[smem:$0x3FA7] =	sst s3  }
0xc: {  	[smem:$0x3FA8] =	sst s4  }
0xd: {  	[smem:$0x3FA9] =	sst s5  }
0xe: {  	[smem:$0x3FAA] =	sst s6  }
0xf: {  	[smem:$0x3FAB] =	sst s7  }
0x10: {  	[smem:$0x3FAC] =	sst s8  }
0x11: {  	[smem:$0x3FAD] =	sst s9;
	s0 =	simm.s32 @!p0 $0x0  }
0x12: {  	s1 =	sld [smem:$0x3F93];
	s0 =	simm.s32 @p0 $0x1  }
0x13: {  	[smem:$0x3FAE] =	sst s0;
	s0 =	simm.s32 @!p1 $0x0  }
0x14: {  	s2 =	sld [smem:$0x3F92];
	s0 =	simm.s32 @p1 $0x1  }
0x15: {  	[smem:$0x3FAF] =	sst s0;
	s0 =	simm.s32 @!p2 $0x0  }
0x16: {  	s3 =	sld [smem:$0x3FDB];
	s0 =	simm.s32 @p2 $0x1  }
0x17: {  	s4 =	simm.s32 $0x1BF5;
	[smem:$0x3FB1] =	sst s0  }
0x18: {  	s0 =	sld [smem:$0x3F94];
	_ =	swait.ge [sflag:s4], $0x0  }
0x19: {  	s7 =	sld [smem:$0x3F95]  }
0x1a: {  	s8 =	sadd.s32 $0xFFFFE003, lr  }
0x1b: {  	s9 =	sadd.s32 $0xFFFFFEF7, lr;
	s5 =	simm.s32 $0xFFFFFFFF;
	p2 =	slt.u32 s8, $0xFFFFF086  }
0x1c: {  	p1 =	slt.u32 s9, $0xF7A;
	s5 =	simm.s32 @!p2 $0x0  }
0x1d: {  	s5 =	simm.s32 @p1 $0x1;
	p0 =	seq.s32 s7, s2  }
0x1e: {  	s7 =	smul.u32 @!p0 $0xF7A, s2;
	p2 =	seq.s32 @!p0 s5, $0x0  }
0x1f: {  	s9 =	smul.u32 $0xF7A, s1;
	s8 =	simm.s32 @!p0 $0x1BF5;
	p2 =	por !p2, p0  }
0x20: {  	[sflag:s8] =	ssyncset.s32 @!p0 $0xFFFFF086;
	s6 =	sadd.s32 @!p0 s3, s7;
	s7 =	simm.s32 @!p0 $0x108  }
0x21: {  	s3 =	sadd.s32 s3, s9;
	s6 =	sadd.s32 @!p0 $0x88, s6;
	s7 =	simm.s32 @p2 $0x1082  }
0x22: {  	[simem:s7], [sflag:s8] =	dma.local @!p0 [hbm:s6], $0xF7A  }
0x23: {  	s9 =	sor.u32 $0xD0000000, s2;
	s6 =	simm.s32 $0x108;
	_ =	swait.ge @!p0 [sflag:s8], $0x0  }
0x24: {  	s3 =	sadd.s32 $0x88, s3;
	s6 =	simm.s32 @!p1 $0x1082;
	[sflag:s4] =	ssyncset.s32 $0xFFFFF086  }
0x25: {  	[simem:s6], [sflag:s4] =	dma.local [hbm:s3], $0xF7A  }
0x26: {  	[smem:$0x3F95] =	sst s1;
	(tag) =	ssettag s2;
	_ =	strace s9  }
0x27: {  	s1 =	sld [smem:$0x3FA5]  }
0x28: {  	s2 =	sld [smem:$0x3FA6]  }
0x29: {  	s4 =	sld [smem:$0x3FA8]  }
0x2a: {  	p0 =	seq.s32 s5, $0x0;
	s5 =	sld [smem:$0x3FA9]  }
0x2b: {  	s6 =	sld [smem:$0x3FAA]  }
0x2c: {  	s7 =	sld [smem:$0x3FAB]  }
0x2d: {  	s3 =	simm.s32 $0x108;
	s8 =	sld [smem:$0x3FAC]  }
0x2e: {  	s3 =	simm.s32 @!p0 $0x1082;
	s9 =	sld [smem:$0x3FAD]  }
0x2f: {  	lr =	sadd.s32 s0, s3;
	s0 =	sld [smem:$0x3FA4]  }
0x30: {  	s3 =	sld [smem:$0x3FA7]  }
0x31: {  	[smem:$0x3FB0] =	sst s10  }
0x32: {  	s10 =	sld [smem:$0x3FAE];
	_ =	sdelay $0x3  }
0x33: {  	p0 =	seq.s32 s10, $0x1;
	s10 =	sld [smem:$0x3FB0];
	_ =	sdelay $0x3  }
0x34: {  	[smem:$0x3FB0] =	sst s10  }
0x35: {  	s10 =	sld [smem:$0x3FAF];
	_ =	sdelay $0x3  }
0x36: {  	p1 =	seq.s32 s10, $0x1;
	s10 =	sld [smem:$0x3FB0];
	_ =	sdelay $0x3  }
0x37: {  	[smem:$0x3FB0] =	sst s10  }
0x38: {  	s10 =	sld [smem:$0x3FB1]  }
0x39: {  	_ = 	snop;
	(pc) =	sbr.ind lr, $3  }
0x3a: {  	_ = 	snop  }
0x3b: {  	_ = 	snop  }
0x3c: {  	p2 =	seq.s32 s10, $0x1;
	s10 =	sld [smem:$0x3FB0]  }
0x3d: {  	_ =	shalt  }
0x3e: {  	_ =	shalt  }
0x3f: {  	_ =	shalt  }
0x40: {  	_ =	shalt  }
0x41: {  	_ =	shalt  }
0x42: {  	_ =	shalt  }
0x43: {  	_ =	shalt  }
0x44: {  	_ =	shalt  }
0x45: {  	_ =	shalt  }
0x46: {  	_ =	shalt  }
0x47: {  	_ =	shalt  }
0x48: {  	_ =	shalt  }
0x49: {  	_ =	shalt  }
0x4a: {  	_ =	shalt  }
0x4b: {  	_ =	shalt  }
0x4c: {  	_ =	shalt  }
0x4d: {  	_ =	shalt  }
0x4e: {  	_ =	shalt  }
0x4f: {  	_ =	shalt  }
0x50: {  	_ =	shalt  }
0x51: {  	_ =	shalt  }
0x52: {  	_ =	shalt  }
0x53: {  	_ =	shalt  }
0x54: {  	_ =	shalt  }
0x55: {  	_ =	shalt  }
0x56: {  	_ =	shalt  }
0x57: {  	_ =	shalt  }
0x58: {  	_ =	shalt  }
0x59: {  	_ =	shalt  }
0x5a: {  	_ =	shalt  }
0x5b: {  	_ =	shalt  }
0x5c: {  	_ =	shalt  }
0x5d: {  	_ =	shalt  }
0x5e: {  	_ =	shalt  }
0x5f: {  	_ =	shalt  }
0x60: {  	_ =	shalt  }
0x61: {  	_ =	shalt  }
0x62: {  	_ =	shalt  }
0x63: {  	_ =	shalt  }
0x64: {  	_ =	shalt  }
0x65: {  	_ =	shalt  }
0x66: {  	_ =	shalt  }
0x67: {  	_ =	shalt  }
0x68: {  	_ =	shalt  }
0x69: {  	_ =	shalt  }
0x6a: {  	_ =	shalt  }
0x6b: {  	_ =	shalt  }
0x6c: {  	_ =	shalt  }
0x6d: {  	_ =	shalt  }
0x6e: {  	_ =	shalt  }
0x6f: {  	_ =	shalt  }
0x70: {  	_ =	shalt  }
0x71: {  	_ =	shalt  }
0x72: {  	_ =	shalt  }
0x73: {  	_ =	shalt  }
0x74: {  	_ =	shalt  }
0x75: {  	_ =	shalt  }
0x76: {  	_ =	shalt  }
0x77: {  	_ =	shalt  }
0x78: {  	_ =	shalt  }
0x79: {  	_ =	shalt  }
0x7a: {  	_ =	shalt  }
0x7b: {  	_ =	shalt  }
0x7c: {  	_ =	shalt  }
0x7d: {  	_ =	shalt  }
0x7e: {  	_ =	shalt  }
0x7f: {  	_ =	shalt  }
0x80: {  	_ =	shalt  }
0x81: {  	_ =	shalt  }
0x82: {  	_ =	shalt  }
0x83: {  	_ =	shalt  }
0x84: {  	_ =	shalt  }
0x85: {  	_ =	shalt  }
0x86: {  	_ =	shalt  }
0x87: {  	_ =	shalt  }
.Lfunc_end0:
.L_simem_size_0:
called_computation.3_lowered:
.L_overlay_start_0:
0x88: {  	s2 =	sld [smem:$0x3FD9]  }
0x89: {  	s3 =	sld [smem:$0x3FFE];
	_ =	sdelay $0x1  }
0x8a: {  	s1 =	srdreg.scid  }
0x8b: {  	s0 =	sand.u32 $0x1, s1  }
0x8c: {  	s16 =	sshll.u32 s0, $0xA;
	s2 =	sadd.s32 s3, s2  }
0x8d: {  	s2 =	sadd.s32 s2, s16  }
0x8e: {  	[smem:$0x3FBC] =	sst s2  }
0x8f: {  	_ = 	snop  }
0x90: {  	(tm) =	ssettm $0x1  }
0x91: {  	s17 =	sld [smem:$0x3FFB];
	_ =	sdelay $0x3  }
0x92: {  	_ =	strace s17  }
0x93: {  	s2 =	sld [smem:$0x3FFC];
	_ =	sdelay $0x3  }
0x94: {  	_ =	strace s2  }
0x95: {  	s2 =	sld [smem:$0x3FFD];
	_ =	sdelay $0x3  }
0x96: {  	_ =	strace s2  }
0x97: {  	_ =	strace $0x8FFFFFFF  }
0x98: {  	s18 =	sld [smem:$0x3FDB];
	_ =	sdelay $0x1  }
0x99: {  	s19 =	simm.s32 $_scs_section_size  }
0x9a: {  	s4 =	simm.s32 $_size__tile_overlayer_lowered;
	s5 =	simm.s32 $_tile_overlayer_lowered  }
0x9b: {  	s22 =	simm.s32 $0x1BFF;
	s21 =	sshll.u32 s5, $0x1;
	s2 =	sadd.s32 s19, s18  }
0x9c: {  	s6 =	simm.s32 $0x0;
	s20 =	sshll.u32 s4, $0x1;
	s4 =	sadd.s32 s21, s2  }
0x9d: {  	[timem:s6], [sflag:s22] =	dma.local [hbm:s4], s20  }
0x9e: {  	_ =	swait.ge [sflag:s22], s20  }
0x9f: {  	s3 =	ssub.s32 $0x0, s20;
	[sflag:s22] =	ssyncset.done $0x0  }
0xa0: {  	[sflag:s22] =	ssyncadd.s32 s3;
	_ =	sdelay $0x1  }
0xa1: {  	s23 =	simm.s32 $0x1B8B  }
0xa2: {  	_ =	swait.ge [sflag:s23], $0x1  }
0xa3: {  	[sflag:s23] =	ssyncset.done $0x0  }
0xa4: {  	s25 =	simm.s32 $0x1B8E;
	s24 =	sld [smem:$0x3FFE];
	[sflag:s23] =	ssyncadd.s32 $0xFFFFFFFF  }
0xa5: {  	s26 =	simm.s32 $execute0_lowered;
	[smem:$0x3FD2] =	sst s25  }
0xa6: {  	s4 =	sshll.u32 s26, $0x1;
	_ =	strace $0x8000004F;
	[dreg:$0x1] =	wrdreg $0xFFFFFFFF  }
0xa7: {  	s28 =	simm.s32 $_size_execute0_lowered;
	s2 =	sadd.s32 s2, s4;
	[dreg:$0x0] =	wrdreg $0x0  }
0xa8: {  	s4 =	sshll.u32 s28, $0x1;
	[dreg:$0x2] =	wrdreg s2  }
0xa9: {  	[dreg:$0x3] =	wrdreg s4  }
0xaa: {  	[dreg:$0x4] =	wrdreg $0xC0  }
0xab: {  	_ =	task [dreg:s6], $0x5FFFF  }
0xac: {  	[dreg:$0x1] =	wrdreg $0xFFFFFFFF  }
0xad: {  	[dreg:$0x0] =	wrdreg $0x60  }
0xae: {  	[dreg:$0x2] =	wrdreg s24  }
0xaf: {  	[dreg:$0x3] =	wrdreg $0xA8000  }
0xb0: {  	[dreg:$0x4] =	wrdreg $0x9  }
0xb1: {  	_ =	task.clear_ibuf [dreg:s6], $0x5FFFF;
	_ =	strace $0x9000004F  }
0xb2: {  	s29 =	simm.s32 $0x9;
	_ =	strace $0x80000051  }
0xb3: {  	_ =	swait.ge [sflag:s29], $0x1  }
0xb4: {  	[sflag:s29] =	ssyncadd.s32 $0xFFFFFFFF  }
0xb5: {  	_ =	strace $0x90000051  }
0xb6: {  	_ =	sfence  }
0xb7: {  	s30 =	sld [smem:$0x0];
	_ =	sdelay $0x2  }
0xb8: {  	s31 =	sshll.u32 s1, $0xD;
	s1 =	sshrl.u32 s1, $0x2  }
0xb9: {  	s3 =	sand.u32 $0x4000, s31;
	s1 =	sadd.s32 s1, s30  }
0xba: {  	s0 =	sor.u32 s3, s0;
	s1 =	sshll.u32 s1, $0x11  }
0xbb: {  	s0 =	sor.u32 s1, s0  }
0xbc: {  	s0 =	sadd.s32 $0x8F2B, s0  }
0xbd: {  	[sflag:s0] =	ssyncadd.remote.s32 $0x1  }
0xbe: {  	_ =	sfence.sel $0xFFFF  }
0xbf: {  	[dreg:$0x0] =	wrdreg $0xFFFFFFFF;
	(pc) =	sbr.abs _section_cstart, $3  }
0xc0: {  	[dreg:$0x1] =	wrdreg $0xFFFFFFFF  }
0xc1: {  	_ =	task.clear_ibuf [dreg:s6], $0x2FFFF;
	_ =	strace $0x9FFFFFFF  }
0xc2: {  	(tm) =	ssettm $0x7FFFFFFF  }
0xc3: {  	_ =	shalt  }
tec
execute0_lowered:
.L_overlay_start_1:
0x0: {  	(tag) =	ssettag $0x1  }
0x1: {  	s7 =	rddreg [dreg:$0x0]  }
0x2: {  	s1 =	rddreg [dreg:$0x1]  }
0x3: {  	s0 =	rddreg [dreg:$0x2];
	s3 =	simm.s32 $0x0;
	s2 =	srdreg.scid  }
0x4: {  	s16 =	simm.s32 $0x2800;
	s17 =	simm.s32 $0x6800;
	s8 =	sand.u32 $0x1, s2  }
0x5: {  	s18 =	simm.s32 $0x1;
	s2 =	stileid.u32;
	s9 =	smul.u32 $0x140000, s8  }
0x6: {  	s19 =	simm.s32 $0x2;
	s20 =	simm.s32 $0x2700;
	s10 =	smul.u32 $0x14000, s2  }
0x7: {  	s21 =	simm.s32 $0x2780;
	[smem:$0x7FF] =	sst s3;
	s11 =	smul.u32 $0x50000, s2  }
0x8: {  	s4 =	sadd.s32 $0x86600, s7;
	s5 =	sadd.s32 $0xDE00, s7;
	s24 =	smul.u32 $0x28000, s8  }
0x9: {  	s6 =	sadd.s32 $0x21E00, s7;
	_ =	strace $0x80000050;
	s13 =	smul.u32 $0x2800, s2  }
0xa: {  	s12 =	ssub.s32 $0x2, s8;
	s26 =	smul.u32 $0x50000, s8;
	s31 =	sshll.u32 s2, $0x6  }
0xb: {  	s29 =	smul.u32 $0x5000, s2;
	s25 =	sshrl.u32 s12, $0x1;
	s8 =	sor.u32 $0x1C03, s31  }
0xc: {  	s9 =	sadd.s32 s10, s9;
	s12 =	ssub.s32 s12, s25;
	s28 =	sshrl.u32 s11, $0x2  }
0xd: {  	s30 =	sadd.s32 s13, s24;
	s13 =	simm.s32 $0x3;
	s9 =	sshrl.u32 s9, $0x3  }
0xe: {  	s15 =	sadd.s32 s28, s1;
	s11 =	smax.u32 s12, $0x1;
	s14 =	sadd.s32 s9, s7  }
0xf: {  	s7 =	sadd.s32 s4, s30;
	s9 =	sadd.s32 s29, s26;
	s12 =	sshrl.u32 s15, $0x3  }
0x10: {  	s15 =	simm.s32 $0x80;
	s10 =	sadd.s32 $0xD6600, s14;
	s14 =	simm.s32 $0x1400  }
.LBB2_1:
0x11: {  	[spmem:s12], [sflag:s8] =	dma.local [hbm:s7], $0x2800  }
0x12: {  	_ =	swait.ge [sflag:s13], $0x2800  }
0x13: {  	[sflag:s13] =	ssyncset.done $0x0  }
0x14: {  	[sflag:s13] =	ssyncadd.s32 $0xFFFFD800  }
0x15: {  	s22 =	simm.s32 $0x0;
	[bflag:$0x0] =	sbarrier.arrive $0xFFFF  }
.LBB2_2:
0x16: {  	s23 =	smul.u32 $0x1400, s22;
	_ =	sdelay $0x1  }
0x17: {  	s23 =	sadd.s32 s23, s9  }
0x18: {  	s23 =	sshrl.u32 s23, $0x3  }
0x19: {  	s25 =	simm.s32 $0x0;
	s24 =	sadd.s32 s5, s23  }
0x1a: {  	[tilespmem:s25], [sflag:$0x3] =	stream.linear.gather [hbm4b:s24+s25], $0x1400, $0x38;
	[tilespmem:$0x1E800] =	vst v63  }
0x1b: {  	_ =	swait.ge [sflag:s13], $0x1400  }
0x1c: {  	[sflag:s13] =	ssyncset.done $0x0  }
0x1d: {  	s23 =	sadd.s32 s6, s23;
	[sflag:s13] =	ssyncadd.s32 $0xFFFFEC00  }
0x1e: {  	[tilespmem:s14], [sflag:$0x3] =	stream.linear.gather [hbm4b:s23+s25], $0x1400, $0x38;
	[tilespmem:$0x1E800] =	vst v63  }
0x1f: {  	_ =	swait.ge [sflag:s13], $0x1400  }
0x20: {  	[sflag:s13] =	ssyncset.done $0x0  }
0x21: {  	[sflag:s13] =	ssyncadd.s32 $0xFFFFEC00  }
0x22: {  	[tilespmem:s16], [sflag:$0x1] =	stream.indirect.gather [hbm4b:s4+s15], $0x80, s25, s15, $0xb8;
	[tilespmem:$0x1E800] =	vst v63  }
0x23: {  	_ = 	snop  }
0x24: {  	[tilespmem:s17], [sflag:$0x2] =	stream.indirect.gather [hbm4b:s4+s15], $0x80, s15, s15, $0xb8;
	[tilespmem:$0x1E800] =	vst v63  }
0x25: {  	_ =	swait.ge [sflag:s18], $0x4000  }
0x26: {  	[sflag:s18] =	ssyncset.done $0x0  }
0x27: {  	s29 =	simm.s32 $0x1400;
	[sflag:s18] =	ssyncadd.s32 $0xFFFFC000  }
0x28: {  	[spmem:s1] =	stream.indirect.scatter.add.f32 [tilespmem:s16], [sflag:$0x3], $0x80, s29, s15, $0xb8;
	[tilespmem:$0x1E800] =	vst v63  }
0x29: {  	_ =	swait.ge [sflag:s13], $0x4000  }
0x2a: {  	[sflag:s13] =	ssyncset.done $0x0  }
0x2b: {  	s30 =	simm.s32 $0x100;
	[sflag:s13] =	ssyncadd.s32 $0xFFFFC000  }
0x2c: {  	[tilespmem:s16], [sflag:$0x1] =	stream.indirect.gather [hbm4b:s4+s15], $0x80, s30, s15, $0xb8;
	[tilespmem:$0x1E800] =	vst v63  }
0x2d: {  	_ =	swait.ge [sflag:s19], $0x4000  }
0x2e: {  	[sflag:s19] =	ssyncset.done $0x0  }
0x2f: {  	s31 =	simm.s32 $0x1480;
	[sflag:s19] =	ssyncadd.s32 $0xFFFFC000  }
0x30: {  	[spmem:s1] =	stream.indirect.scatter.add.f32 [tilespmem:s17], [sflag:$0x3], $0x80, s31, s15, $0xb8;
	[tilespmem:$0x1E800] =	vst v63  }
0x31: {  	_ =	swait.ge [sflag:s13], $0x4000  }
0x32: {  	[sflag:s13] =	ssyncset.done $0x0  }
0x33: {  	s24 =	simm.s32 $0x180;
	s23 =	simm.s32 $0x400;
	[sflag:s13] =	ssyncadd.s32 $0xFFFFC000  }
.LBB2_3:
0x34: {  	[tilespmem:s17], [sflag:$0x2] =	stream.indirect.gather [hbm4b:s4+s15], $0x80, s24, s15, $0xb8;
	[tilespmem:$0x1E800] =	vst v63  }
0x35: {  	s24 =	smov.u32 s23  }
0x36: {  	p0 =	sne.s32 s23, $0x4800;
	s23 =	sadd.s32 $0x400, s23;
	_ =	swait.ge [sflag:s18], $0x4000  }
0x37: {  	s24 =	sshra.s32 s24, $0x2;
	[sflag:s18] =	ssyncset.done $0x0  }
0x38: {  	s25 =	sadd.s32 $0x1400, s24;
	[sflag:s18] =	ssyncadd.s32 $0xFFFFC000  }
0x39: {  	[spmem:s1] =	stream.indirect.scatter.add.f32 [tilespmem:s16], [sflag:$0x3], $0x80, s25, s15, $0xb8;
	[tilespmem:$0x1E800] =	vst v63  }
0x3a: {  	_ =	swait.ge [sflag:s13], $0x4000  }
0x3b: {  	[sflag:s13] =	ssyncset.done $0x0  }
0x3c: {  	s25 =	sadd.s32 $0x100, s24;
	[sflag:s13] =	ssyncadd.s32 $0xFFFFC000  }
0x3d: {  	[tilespmem:s16], [sflag:$0x1] =	stream.indirect.gather [hbm4b:s4+s15], $0x80, s25, s15, $0xb8;
	[tilespmem:$0x1E800] =	vst v63  }
0x3e: {  	_ =	swait.ge [sflag:s19], $0x4000  }
0x3f: {  	[sflag:s19] =	ssyncset.done $0x0  }
.Ltmp0:
0x40: {  	s25 =	sadd.s32 $0x1480, s24;
	[sflag:s19] =	ssyncadd.s32 $0xFFFFC000;
	(pc) =	sbr.rel @p0 .LBB2_3-.Ltmp0, $4  }
0x41: {  	[spmem:s1] =	stream.indirect.scatter.add.f32 [tilespmem:s17], [sflag:$0x3], $0x80, s25, s15, $0xb8;
	[tilespmem:$0x1E800] =	vst v63  }
0x42: {  	_ =	swait.ge [sflag:s13], $0x4000  }
0x43: {  	[sflag:s13] =	ssyncset.done $0x0  }
0x44: {  	s24 =	sadd.s32 $0x180, s24;
	[sflag:s13] =	ssyncadd.s32 $0xFFFFC000  }
0x45: {  	[tilespmem:s17], [sflag:$0x2] =	stream.indirect.gather [hbm4b:s4+s15], $0x80, s24, s15, $0xb8;
	[tilespmem:$0x1E800] =	vst v63  }
0x46: {  	_ =	swait.ge [sflag:s18], $0x4000  }
0x47: {  	[sflag:s18] =	ssyncset.done $0x0  }
0x48: {  	[sflag:s18] =	ssyncadd.s32 $0xFFFFC000  }
0x49: {  	[spmem:s1] =	stream.indirect.scatter.add.f32 [tilespmem:s16], [sflag:$0x3], $0x80, s20, s15, $0xb8;
	[tilespmem:$0x1E800] =	vst v63  }
0x4a: {  	_ =	swait.ge [sflag:s13], $0x4000  }
0x4b: {  	[sflag:s13] =	ssyncset.done $0x0  }
0x4c: {  	[sflag:s13] =	ssyncadd.s32 $0xFFFFC000  }
0x4d: {  	s22 =	sadd.s32 $0x1, s22;
	_ =	swait.ge [sflag:s19], $0x4000  }
0x4e: {  	p0 =	sne.s32 s22, $0x4;
	[sflag:s19] =	ssyncset.done $0x0  }
.Ltmp1:
0x4f: {  	[sflag:s19] =	ssyncadd.s32 $0xFFFFC000;
	(pc) =	sbr.rel @p0 .LBB2_2-.Ltmp1, $4  }
0x50: {  	[spmem:s1] =	stream.indirect.scatter.add.f32 [tilespmem:s17], [sflag:$0x3], $0x80, s21, s15, $0xb8;
	[tilespmem:$0x1E800] =	vst v63  }
0x51: {  	_ =	swait.ge [sflag:s13], $0x4000  }
0x52: {  	[sflag:s13] =	ssyncset.done $0x0  }
0x53: {  	[sflag:s13] =	ssyncadd.s32 $0xFFFFC000  }
0x54: {  	s3 =	sadd.s32 $0x1, s3  }
0x55: {  	p0 =	sne.s32 s3, s11  }
.Ltmp2:
0x56: {  	[bflag:$0x0] =	sbarrier.arrive $0xFFFF;
	(pc) =	sbr.rel @p0 .LBB2_1-.Ltmp2, $4  }
0x57: {  	[hbm:s10], [sflag:s8] =	dma.local [spmem:s12], $0x2800  }
0x58: {  	_ =	swait.ge [sflag:s13], $0x2800  }
0x59: {  	[sflag:s13] =	ssyncset.done $0x0  }
0x5a: {  	[sflag:s13] =	ssyncadd.s32 $0xFFFFD800  }
0x5b: {  	_ =	sfence.sel $0x180000  }
0x5c: {  	[bflag:$0x0] =	sbarrier.arrive $0xFFFF  }
0x5d: {  	p0 =	sne.s32 s2, $0x0;
	_ =	strace $0x90000050  }
0x5e: {  	s0 =	sadd.s32 @!p0 $0x100000, s0;
	[bflag:$0x2] =	sbarrier.arrive $0xFFFF  }
0x5f: {  	[sflag:s0] =	ssyncadd.tile.s32 @!p0 $0x1;
	_ =	shalt  }
.Lfunc_end2:
_tile_overlayer_lowered:
.L_overlay_start_2:
0x60: {  	(tag) =	ssettag $0x2  }
0x61: {  	s0 =	rddreg [dreg:$0x0];
	s2 =	stileid.u32  }
0x62: {  	s1 =	rddreg [dreg:$0x1];
	p0 =	sne.s32 s2, $0x0  }
0x63: {  	s3 =	rddreg [dreg:$0x2];
	[bflag:$0x3] =	sbarrier.arrive $0xFFFF;
	s2 =	simm.s32 @!p0 $0x1C03  }
0x64: {  	[timem:s3], [sflag:s2] =	dma.local @!p0 [hbm:s0], s1  }
0x65: {  	s0 =	simm.s32 @!p0 $0x3  }
0x66: {  	_ =	swait.ge @!p0 [sflag:s0], s1  }
0x67: {  	s1 =	ssub.s32 @!p0 $0x0, s1;
	[sflag:s0] =	ssyncset.done @!p0 $0x0  }
0x68: {  	[sflag:s0] =	ssyncadd.s32 @!p0 s1  }
0x69: {  	[bflag:$0x3] =	sbarrier.arrive $0xFFFF  }
0x6a: {  	_ =	shalt  }

</sc_bundles>
